<compile_context>
chip_gen: v7x
topology: tpu7x:2x2x1
jax: 0.10.2.dev20260603
libtpu: 0.0.44.dev20260713+nightly
codegen_flags: <defaults>
</compile_context>

<pallas_src>
import functools

import jax
import jax.numpy as jnp
from jax import lax
from jax.experimental import pallas as pl
from jax.experimental.pallas import tpu as pltpu
from jax.experimental.pallas import tpu_sc as plsc

B, N, E = 4, 10000, 160000
D, H, OUT, T = 128, 128, 64, 3
DA = 144
NC, NS = 2, 16
K = 128
G = 4
NGRP = 20
NCH = NGRP * G
EPT = NCH * K
EP = NS * EPT
ACC_ROWS = N
ZR = 128
RP = ACC_ROWS // NS


def _sc_scatter(x_hbm, idx_hbm, zsrc_hbm, out_hbm, ig, rb, sem, acc):
    c = lax.axis_index("c")
    s = lax.axis_index("s")

    nzb = ACC_ROWS // ZR

    def batch(b, carry):
        for jj in range(nzb // NS):
            pltpu.sync_copy(zsrc_hbm, acc.at[pl.ds((jj * NS + s) * ZR, ZR)])
        if nzb % NS:
            @pl.when(s < nzb % NS)
            def _():
                pltpu.sync_copy(
                    zsrc_hbm, acc.at[pl.ds(((nzb // NS) * NS + s) * ZR, ZR)])
        if ACC_ROWS % ZR:
            @pl.when(s == NS - 1)
            def _():
                pltpu.sync_copy(zsrc_hbm.at[pl.ds(0, ACC_ROWS % ZR)],
                                acc.at[pl.ds(nzb * ZR, ACC_ROWS % ZR)])
        plsc.subcore_barrier()

        pltpu.sync_copy(idx_hbm.at[c, b, s], ig)

        def grp(q, carry):
            for l in range(G):
                pltpu.async_copy(x_hbm.at[ig.at[q, l, 0]], rb, sem).wait()
                pltpu.sync_copy(rb, acc.at[ig.at[q, l, 1]], add=True)
            return carry

        lax.fori_loop(0, NGRP, grp, 0)
        plsc.subcore_barrier()

        pltpu.sync_copy(acc.at[pl.ds(s * RP, RP)],
                        out_hbm.at[c, b, pl.ds(s * RP, RP)])
        plsc.subcore_barrier()
        return carry

    lax.fori_loop(0, B, batch, 0)


def _dense_body(x_ref, fi_ref, fo_ref, inWa_ref, outWa_ref,
                rgA_ref, rgB_ref, rgb_ref, ugA_ref, ugB_ref, ugb_ref,
                tfA_ref, tfB_ref, tfR_ref, tfb_ref, oW_ref, ob_ref, out_ref):
    b = pl.program_id(0)
    j = pl.program_id(1)
    x = x_ref[0]
    yin = fi_ref[0, 0] + x
    yout = fo_ref[0, 0] + x
    acc = jnp.zeros((1, OUT), jnp.float32)
    for t in range(T):
        a_in = jnp.dot(yin, inWa_ref[t], preferred_element_type=jnp.float32)
        a_out = jnp.dot(yout, outWa_ref[t], preferred_element_type=jnp.float32)
        r = jax.nn.sigmoid(
            jnp.dot(a_in, rgA_ref[...], preferred_element_type=jnp.float32)
            + jnp.dot(a_out, rgB_ref[...], preferred_element_type=jnp.float32)
            + rgb_ref[...])
        z = jax.nn.sigmoid(
            jnp.dot(a_in, ugA_ref[...], preferred_element_type=jnp.float32)
            + jnp.dot(a_out, ugB_ref[...], preferred_element_type=jnp.float32)
            + ugb_ref[...])
        h_hat = jnp.tanh(
            jnp.dot(a_in, tfA_ref[...], preferred_element_type=jnp.float32)
            + jnp.dot(a_out, tfB_ref[...], preferred_element_type=jnp.float32)
            + jnp.dot(r, tfR_ref[...], preferred_element_type=jnp.float32)
            + tfb_ref[...])
        prop = 1.0 - z + z * h_hat
        o = jnp.tanh(jnp.dot(prop, oW_ref[...],
                             preferred_element_type=jnp.float32) + ob_ref[...])
        acc = acc + jnp.sum(o, axis=0, keepdims=True)

    @pl.when((b == 0) & (j == 0))
    def _():
        out_ref[...] = jnp.zeros_like(out_ref)

    rows = lax.broadcasted_iota(jnp.int32, (8, OUT), 0)
    out_ref[...] += jnp.where(rows == b, jnp.broadcast_to(acc, (8, OUT)), 0.0)


def kernel(node_features, edge_index, edge_type, in_W, in_b, out_W, out_b,
           rg_W, rg_b, ug_W, ug_b, tf_W, tf_b, o_W, o_b):
    del edge_type
    f32 = jnp.float32

    row = edge_index[:, 0, :].astype(jnp.int32)
    col = edge_index[:, 1, :].astype(jnp.int32)
    off = (jnp.arange(B, dtype=jnp.int32) * N)[:, None]
    padg = jnp.full((B, EP - E), B * N, jnp.int32)

    def pack(g, sc):
        g = g.reshape(B, NS, NGRP, G, 1, K)
        sc = sc.reshape(B, NS, NGRP, G, 1, K)
        return jnp.concatenate([g, sc], axis=4)

    pads = jnp.zeros((B, EP - E), jnp.int32)
    idx = jnp.stack(
        [pack(jnp.concatenate([col + off, padg], axis=1),
              jnp.concatenate([row, pads], axis=1)),
         pack(jnp.concatenate([row + off, padg], axis=1),
              jnp.concatenate([col, pads], axis=1))])

    xaug = jnp.concatenate(
        [node_features,
         jnp.ones((B, N, 1), f32),
         jnp.zeros((B, N, DA - D - 1), f32)], axis=2)
    zsrc = jnp.zeros((ZR, DA), f32)

    xtab = jnp.concatenate(
        [xaug.reshape(B * N, DA), jnp.zeros((8, DA), f32)], axis=0)

    mesh = plsc.VectorSubcoreMesh(core_axis_name="c", subcore_axis_name="s")
    sc_call = functools.partial(
        pl.kernel, _sc_scatter, mesh=mesh,
        compiler_params=pltpu.CompilerParams(use_tc_tiling_on_sc=False),
        out_type=jax.ShapeDtypeStruct((NC, B, ACC_ROWS, DA), f32),
        scratch_types=[
            pltpu.VMEM((NGRP, G, 2, K), jnp.int32),
            pltpu.VMEM((K, DA), f32),
            pltpu.SemaphoreType.DMA,
            pltpu.VMEM_SHARED((ACC_ROWS, DA), f32),
        ])()
    feat = sc_call(xtab, idx, zsrc)

    def aug_w(W, bvec):
        z = jnp.zeros((T, DA - D - 1, W.shape[-1]), f32)
        return jnp.concatenate([W, bvec[:, None, :], z], axis=1)

    inWa = aug_w(in_W, in_b)
    outWa = aug_w(out_W, out_b)

    NB = 2000
    grid = (B, N // NB)
    full = lambda s: pl.BlockSpec(s, lambda b, j: (0,) * len(s))
    out = pl.pallas_call(
        _dense_body,
        grid=grid,
        in_specs=[
            pl.BlockSpec((1, NB, DA), lambda b, j: (b, j, 0)),
            pl.BlockSpec((1, 1, NB, DA), lambda b, j: (0, b, j, 0)),
            pl.BlockSpec((1, 1, NB, DA), lambda b, j: (1, b, j, 0)),
            full((T, DA, H)), full((T, DA, H)),
            full((H, H)), full((H, H)), full((1, H)),
            full((H, H)), full((H, H)), full((1, H)),
            full((H, H)), full((H, H)), full((H, H)), full((1, H)),
            full((H, OUT)), full((1, OUT)),
        ],
        out_specs=pl.BlockSpec((8, OUT), lambda b, j: (0, 0)),
        out_shape=jax.ShapeDtypeStruct((8, OUT), f32),
    )(xaug, feat, feat, inWa, outWa,
      rg_W[:H], rg_W[H:], rg_b.reshape(1, H),
      ug_W[:H], ug_W[H:], ug_b.reshape(1, H),
      tf_W[:H], tf_W[H:2 * H], tf_W[2 * H:], tf_b.reshape(1, H),
      o_W, o_b.reshape(1, OUT))
    return out[:B]

# --- scband reference (transcript-rebuilt; emitter-appended) ---
"""Pipeline reference for scband-het-gcn-9-35923106463910 (READ-ONLY COPY).

The authoritative reference and input builder live on the scoring server;
editing this copy changes nothing except your own understanding.
"""

import jax, jax.numpy as jnp
import numpy as np

B, N, E = 4, 10000, 160000
D, H, OUT, T = 128, 128, 64, 3


def setup_inputs(seed: int = 0) -> dict:
    key = jax.random.key(seed)
    ks = jax.random.split(key, 16)
    node_features = jax.random.normal(ks[0], (B, N, D), dtype=jnp.float32)
    row = jax.random.randint(ks[1], (B, E), 0, N)
    col = jax.random.randint(ks[2], (B, E), 0, N)
    # avoid pre-existing self loops so add_remaining_self_loops == append all self loops
    col = jnp.where(row == col, (col + 1) % N, col)
    edge_index = jnp.stack([row, col], axis=1)
    edge_type = jax.random.randint(ks[3], (B, E), 0, T)

    def lin(k, fan_in, shape):
        b = 1.0 / np.sqrt(fan_in)
        return jax.random.uniform(k, shape, minval=-b, maxval=b, dtype=jnp.float32)

    in_W = lin(ks[4], D, (T, D, H)); in_b = lin(ks[5], D, (T, H))
    out_W = lin(ks[6], D, (T, D, H)); out_b = lin(ks[7], D, (T, H))
    rg_W = lin(ks[8], 2 * H, (2 * H, H)); rg_b = lin(ks[9], 2 * H, (H,))
    ug_W = lin(ks[10], 2 * H, (2 * H, H)); ug_b = lin(ks[11], 2 * H, (H,))
    tf_W = lin(ks[12], 3 * H, (3 * H, H)); tf_b = lin(ks[13], 3 * H, (H,))
    o_W = lin(ks[14], H, (H, OUT)); o_b = lin(ks[15], H, (OUT,))
    return dict(node_features=node_features, edge_index=edge_index, edge_type=edge_type,
                in_W=in_W, in_b=in_b, out_W=out_W, out_b=out_b,
                rg_W=rg_W, rg_b=rg_b, ug_W=ug_W, ug_b=ug_b,
                tf_W=tf_W, tf_b=tf_b, o_W=o_W, o_b=o_b)


def reference(node_features, edge_index, edge_type, in_W, in_b, out_W, out_b,
              rg_W, rg_b, ug_W, ug_b, tf_W, tf_b, o_W, o_b):
    # Faithful to the original forward. NOTE: the original code computes an
    # edge-type-filtered index but then overwrites it with
    # add_remaining_self_loops(edge_index) (full graph), so edge_type is
    # effectively unused in the message passing; we replicate that behavior.
    loop = jnp.arange(N, dtype=edge_index.dtype)
    outs = []
    for i in range(B):
        x = node_features[i]
        row = jnp.concatenate([edge_index[i, 0], loop])
        col = jnp.concatenate([edge_index[i, 1], loop])
        a_list = []
        for t in range(T):
            in_state = x @ in_W[t] + in_b[t]
            out_state = x @ out_W[t] + out_b[t]
            a_in = jax.ops.segment_sum(jnp.take(in_state, col, axis=0), row, num_segments=N)
            a_out = jax.ops.segment_sum(jnp.take(out_state, row, axis=0), col, num_segments=N)
            a_list.append(jnp.concatenate([a_in, a_out], axis=1))
        a_stack = jnp.stack(a_list).reshape(T * N, 2 * H)
        r = jax.nn.sigmoid(a_stack @ rg_W + rg_b)
        z = jax.nn.sigmoid(a_stack @ ug_W + ug_b)
        joined = jnp.concatenate([a_stack, r], axis=1)
        h_hat = jnp.tanh(joined @ tf_W + tf_b)
        prop = 1.0 - z + z * h_hat
        out = jnp.tanh(prop @ o_W + o_b)
        outs.append(out.sum(axis=0))
    return jnp.stack(outs)

if __name__ == "__main__":
    import jax
    _d = setup_inputs()
    print(jax.jit(kernel)(*tuple(_d.values())))

</pallas_src>

<mosaic_0001>
#map = affine_map<(d0, d1) -> (0, 0)>
#map1 = affine_map<(d0, d1) -> (0, 0, 0, 0, 0, 0, 0)>
#map2 = affine_map<(d0, d1) -> (0, 0, 0, 0)>
module attributes {stable_mosaic.version = 14 : i64} {
  func.func @_sc_scatter(%arg0: i32, %arg1: i32, %arg2: memref<40008x144xf32, #tpu.memory_space<hbm>>, %arg3: memref<2x4x16x20x4x2x128xi32, #tpu.memory_space<hbm>>, %arg4: memref<128x144xf32, #tpu.memory_space<hbm>>, %arg5: memref<2x4x10000x144xf32, #tpu.memory_space<hbm>>, %arg6: memref<20x4x2x128xi32, #tpu.memory_space<vmem>>, %arg7: memref<128x144xf32, #tpu.memory_space<vmem>>, %arg8: memref<!tpu.dma_semaphore, #tpu.memory_space<semaphore_mem>>, %arg9: memref<10000x144xf32, #tpu.memory_space<vmem_shared>>) attributes {dimension_semantics = [#tpu.dimension_semantics<core_parallel>, #tpu.dimension_semantics<subcore_parallel>], iteration_bounds = array<i64: 2, 16>, scalar_prefetch = 0 : i64, scratch_operands = 4 : i64, tpu.core_type = #tpu.core_type<sc_vector_subcore>, window_params = [{transform_indices = #map}, {transform_indices = #map1}, {transform_indices = #map}, {transform_indices = #map2}]} {
    %scan3A = arith.constant 0 : i32
    %scan3A_0 = arith.constant 0 : i32
    %scan3A_1 = arith.constant 4 : i32
    %scan3A_2 = arith.addi %scan3A_0, %scan3A_1 : i32
    %scan3A_3 = arith.constant 1 : i32
    scf.for %scan3A_5 = %scan3A_0 to %scan3A_2 step %scan3A_3  : i32 {
      %add3A = arith.constant 0 : i32
      %add3A_6 = arith.addi %add3A, %arg1 : i32
      %mul3A = arith.constant 128 : i32
      %mul3A_7 = arith.muli %add3A_6, %mul3A : i32
      "tpu.region"() ({
        %run_scoped3A = tpu.sem_alloc : memref<!tpu.dma_semaphore, #tpu.memory_space<semaphore_mem>>
        %dma_start3A = arith.constant 0 : i32
        %dma_start3A_38 = tpu.memref_slice %arg9[%mul3A_7, %dma_start3A] : memref<10000x144xf32, #tpu.memory_space<vmem_shared>> -> memref<128x144xf32, #tpu.memory_space<vmem_shared>>
        tpu.enqueue_dma source(%arg4 : memref<128x144xf32, #tpu.memory_space<hbm>>) target(%dma_start3A_38 : memref<128x144xf32, #tpu.memory_space<vmem_shared>>) target_semaphore(%run_scoped3A : memref<!tpu.dma_semaphore, #tpu.memory_space<semaphore_mem>>)
        %dma_wait3A = arith.constant 0 : i32
        %dma_wait3A_39 = tpu.memref_slice %arg9[%mul3A_7, %dma_wait3A] : memref<10000x144xf32, #tpu.memory_space<vmem_shared>> -> memref<128x144xf32, #tpu.memory_space<vmem_shared>>
        tpu.wait_dma2 semaphore(%run_scoped3A : memref<!tpu.dma_semaphore, #tpu.memory_space<semaphore_mem>>) src(%arg4 : memref<128x144xf32, #tpu.memory_space<hbm>>) dst(%dma_wait3A_39 : memref<128x144xf32, #tpu.memory_space<vmem_shared>>)
        tpu.yield
      }) : () -> ()
      %add3A_8 = arith.constant 16 : i32
      %add3A_9 = arith.addi %add3A_8, %arg1 : i32
      %mul3A_10 = arith.constant 128 : i32
      %mul3A_11 = arith.muli %add3A_9, %mul3A_10 : i32
      "tpu.region"() ({
        %run_scoped3A = tpu.sem_alloc : memref<!tpu.dma_semaphore, #tpu.memory_space<semaphore_mem>>
        %dma_start3A = arith.constant 0 : i32
        %dma_start3A_38 = tpu.memref_slice %arg9[%mul3A_11, %dma_start3A] : memref<10000x144xf32, #tpu.memory_space<vmem_shared>> -> memref<128x144xf32, #tpu.memory_space<vmem_shared>>
        tpu.enqueue_dma source(%arg4 : memref<128x144xf32, #tpu.memory_space<hbm>>) target(%dma_start3A_38 : memref<128x144xf32, #tpu.memory_space<vmem_shared>>) target_semaphore(%run_scoped3A : memref<!tpu.dma_semaphore, #tpu.memory_space<semaphore_mem>>)
        %dma_wait3A = arith.constant 0 : i32
        %dma_wait3A_39 = tpu.memref_slice %arg9[%mul3A_11, %dma_wait3A] : memref<10000x144xf32, #tpu.memory_space<vmem_shared>> -> memref<128x144xf32, #tpu.memory_space<vmem_shared>>
        tpu.wait_dma2 semaphore(%run_scoped3A : memref<!tpu.dma_semaphore, #tpu.memory_space<semaphore_mem>>) src(%arg4 : memref<128x144xf32, #tpu.memory_space<hbm>>) dst(%dma_wait3A_39 : memref<128x144xf32, #tpu.memory_space<vmem_shared>>)
        tpu.yield
      }) : () -> ()
      %add3A_12 = arith.constant 32 : i32
      %add3A_13 = arith.addi %add3A_12, %arg1 : i32
      %mul3A_14 = arith.constant 128 : i32
      %mul3A_15 = arith.muli %add3A_13, %mul3A_14 : i32
      "tpu.region"() ({
        %run_scoped3A = tpu.sem_alloc : memref<!tpu.dma_semaphore, #tpu.memory_space<semaphore_mem>>
        %dma_start3A = arith.constant 0 : i32
        %dma_start3A_38 = tpu.memref_slice %arg9[%mul3A_15, %dma_start3A] : memref<10000x144xf32, #tpu.memory_space<vmem_shared>> -> memref<128x144xf32, #tpu.memory_space<vmem_shared>>
        tpu.enqueue_dma source(%arg4 : memref<128x144xf32, #tpu.memory_space<hbm>>) target(%dma_start3A_38 : memref<128x144xf32, #tpu.memory_space<vmem_shared>>) target_semaphore(%run_scoped3A : memref<!tpu.dma_semaphore, #tpu.memory_space<semaphore_mem>>)
        %dma_wait3A = arith.constant 0 : i32
        %dma_wait3A_39 = tpu.memref_slice %arg9[%mul3A_15, %dma_wait3A] : memref<10000x144xf32, #tpu.memory_space<vmem_shared>> -> memref<128x144xf32, #tpu.memory_space<vmem_shared>>
        tpu.wait_dma2 semaphore(%run_scoped3A : memref<!tpu.dma_semaphore, #tpu.memory_space<semaphore_mem>>) src(%arg4 : memref<128x144xf32, #tpu.memory_space<hbm>>) dst(%dma_wait3A_39 : memref<128x144xf32, #tpu.memory_space<vmem_shared>>)
        tpu.yield
      }) : () -> ()
      %add3A_16 = arith.constant 48 : i32
      %add3A_17 = arith.addi %add3A_16, %arg1 : i32
      %mul3A_18 = arith.constant 128 : i32
      %mul3A_19 = arith.muli %add3A_17, %mul3A_18 : i32
      "tpu.region"() ({
        %run_scoped3A = tpu.sem_alloc : memref<!tpu.dma_semaphore, #tpu.memory_space<semaphore_mem>>
        %dma_start3A = arith.constant 0 : i32
        %dma_start3A_38 = tpu.memref_slice %arg9[%mul3A_19, %dma_start3A] : memref<10000x144xf32, #tpu.memory_space<vmem_shared>> -> memref<128x144xf32, #tpu.memory_space<vmem_shared>>
        tpu.enqueue_dma source(%arg4 : memref<128x144xf32, #tpu.memory_space<hbm>>) target(%dma_start3A_38 : memref<128x144xf32, #tpu.memory_space<vmem_shared>>) target_semaphore(%run_scoped3A : memref<!tpu.dma_semaphore, #tpu.memory_space<semaphore_mem>>)
        %dma_wait3A = arith.constant 0 : i32
        %dma_wait3A_39 = tpu.memref_slice %arg9[%mul3A_19, %dma_wait3A] : memref<10000x144xf32, #tpu.memory_space<vmem_shared>> -> memref<128x144xf32, #tpu.memory_space<vmem_shared>>
        tpu.wait_dma2 semaphore(%run_scoped3A : memref<!tpu.dma_semaphore, #tpu.memory_space<semaphore_mem>>) src(%arg4 : memref<128x144xf32, #tpu.memory_space<hbm>>) dst(%dma_wait3A_39 : memref<128x144xf32, #tpu.memory_space<vmem_shared>>)
        tpu.yield
      }) : () -> ()
      %lt3A = arith.constant 14 : i32
      %lt3A_20 = arith.cmpi slt, %arg1, %lt3A : i32
      %convert_element_type3A = arith.extui %lt3A_20 : i1 to i32
      %cond3A = arith.constant 0 : i32
      %cond3A_21 = arith.cmpi ne, %convert_element_type3A, %cond3A : i32
      scf.if %cond3A_21 {
        %add3A_38 = arith.constant 64 : i32
        %add3A_39 = arith.addi %add3A_38, %arg1 : i32
        %mul3A_40 = arith.constant 128 : i32
        %mul3A_41 = arith.muli %add3A_39, %mul3A_40 : i32
        "tpu.region"() ({
          %run_scoped3A = tpu.sem_alloc : memref<!tpu.dma_semaphore, #tpu.memory_space<semaphore_mem>>
          %dma_start3A = arith.constant 0 : i32
          %dma_start3A_42 = tpu.memref_slice %arg9[%mul3A_41, %dma_start3A] : memref<10000x144xf32, #tpu.memory_space<vmem_shared>> -> memref<128x144xf32, #tpu.memory_space<vmem_shared>>
          tpu.enqueue_dma source(%arg4 : memref<128x144xf32, #tpu.memory_space<hbm>>) target(%dma_start3A_42 : memref<128x144xf32, #tpu.memory_space<vmem_shared>>) target_semaphore(%run_scoped3A : memref<!tpu.dma_semaphore, #tpu.memory_space<semaphore_mem>>)
          %dma_wait3A = arith.constant 0 : i32
          %dma_wait3A_43 = tpu.memref_slice %arg9[%mul3A_41, %dma_wait3A] : memref<10000x144xf32, #tpu.memory_space<vmem_shared>> -> memref<128x144xf32, #tpu.memory_space<vmem_shared>>
          tpu.wait_dma2 semaphore(%run_scoped3A : memref<!tpu.dma_semaphore, #tpu.memory_space<semaphore_mem>>) src(%arg4 : memref<128x144xf32, #tpu.memory_space<hbm>>) dst(%dma_wait3A_43 : memref<128x144xf32, #tpu.memory_space<vmem_shared>>)
          tpu.yield
        }) : () -> ()
      } else {
      }
      %eq3A = arith.constant 15 : i32
      %eq3A_22 = arith.cmpi eq, %arg1, %eq3A : i32
      %convert_element_type3A_23 = arith.extui %eq3A_22 : i1 to i32
      %cond3A_24 = arith.constant 0 : i32
      %cond3A_25 = arith.cmpi ne, %convert_element_type3A_23, %cond3A_24 : i32
      scf.if %cond3A_25 {
        "tpu.region"() ({
          %run_scoped3A = tpu.sem_alloc : memref<!tpu.dma_semaphore, #tpu.memory_space<semaphore_mem>>
          %dma_start3A = arith.constant 9984 : i32
          %dma_start3A_38 = arith.constant 0 : i32
          %dma_start3A_39 = tpu.memref_slice %arg9[%dma_start3A, %dma_start3A_38] : memref<10000x144xf32, #tpu.memory_space<vmem_shared>> -> memref<16x144xf32, #tpu.memory_space<vmem_shared>>
          %dma_start3A_40 = arith.constant 0 : i32
          %dma_start3A_41 = arith.constant 0 : i32
          %dma_start3A_42 = tpu.memref_slice %arg4[%dma_start3A_40, %dma_start3A_41] : memref<128x144xf32, #tpu.memory_space<hbm>> -> memref<16x144xf32, #tpu.memory_space<hbm>>
          tpu.enqueue_dma source(%dma_start3A_42 : memref<16x144xf32, #tpu.memory_space<hbm>>) target(%dma_start3A_39 : memref<16x144xf32, #tpu.memory_space<vmem_shared>>) target_semaphore(%run_scoped3A : memref<!tpu.dma_semaphore, #tpu.memory_space<semaphore_mem>>)
          %dma_wait3A = arith.constant 9984 : i32
          %dma_wait3A_43 = arith.constant 0 : i32
          %dma_wait3A_44 = tpu.memref_slice %arg9[%dma_wait3A, %dma_wait3A_43] : memref<10000x144xf32, #tpu.memory_space<vmem_shared>> -> memref<16x144xf32, #tpu.memory_space<vmem_shared>>
          %dma_wait3A_45 = arith.constant 0 : i32
          %dma_wait3A_46 = arith.constant 0 : i32
          %dma_wait3A_47 = tpu.memref_slice %arg4[%dma_wait3A_45, %dma_wait3A_46] : memref<128x144xf32, #tpu.memory_space<hbm>> -> memref<16x144xf32, #tpu.memory_space<hbm>>
          tpu.wait_dma2 semaphore(%run_scoped3A : memref<!tpu.dma_semaphore, #tpu.memory_space<semaphore_mem>>) src(%dma_wait3A_47 : memref<16x144xf32, #tpu.memory_space<hbm>>) dst(%dma_wait3A_44 : memref<16x144xf32, #tpu.memory_space<vmem_shared>>)
          tpu.yield
        }) : () -> ()
      } else {
      }
      %barrier3A = arith.constant 0 : index
      tpu.barrier barrier_id(%barrier3A)
      "tpu.region"() ({
        %run_scoped3A = tpu.sem_alloc : memref<!tpu.dma_semaphore, #tpu.memory_space<semaphore_mem>>
        %dma_start3A = arith.constant 0 : i32
        %dma_start3A_38 = arith.constant 0 : i32
        %dma_start3A_39 = arith.constant 0 : i32
        %dma_start3A_40 = arith.constant 0 : i32
        %dma_start3A_41 = tpu.memref_slice %arg3[%arg0, %scan3A_5, %arg1, %dma_start3A, %dma_start3A_38, %dma_start3A_39, %dma_start3A_40] : memref<2x4x16x20x4x2x128xi32, #tpu.memory_space<hbm>> -> memref<1x1x1x20x4x2x128xi32, #tpu.memory_space<hbm>>
        %dma_start3A_42 = tpu.memref_squeeze %dma_start3A_41 : memref<1x1x1x20x4x2x128xi32, #tpu.memory_space<hbm>> -> memref<20x4x2x128xi32, #tpu.memory_space<hbm>>
        %dma_start3A_43 = arith.constant 0 : i32
        %dma_start3A_44 = arith.constant 0 : i32
        %dma_start3A_45 = arith.constant 0 : i32
        %dma_start3A_46 = arith.constant 0 : i32
        %dma_start3A_47 = tpu.memref_slice %arg3[%arg0, %scan3A_5, %arg1, %dma_start3A_43, %dma_start3A_44, %dma_start3A_45, %dma_start3A_46] : memref<2x4x16x20x4x2x128xi32, #tpu.memory_space<hbm>> -> memref<1x1x1x20x4x2x128xi32, #tpu.memory_space<hbm>>
        %dma_start3A_48 = tpu.memref_squeeze %dma_start3A_47 : memref<1x1x1x20x4x2x128xi32, #tpu.memory_space<hbm>> -> memref<20x4x2x128xi32, #tpu.memory_space<hbm>>
        tpu.enqueue_dma source(%dma_start3A_48 : memref<20x4x2x128xi32, #tpu.memory_space<hbm>>) target(%arg6 : memref<20x4x2x128xi32, #tpu.memory_space<vmem>>) target_semaphore(%run_scoped3A : memref<!tpu.dma_semaphore, #tpu.memory_space<semaphore_mem>>)
        %dma_wait3A = arith.constant 0 : i32
        %dma_wait3A_49 = arith.constant 0 : i32
        %dma_wait3A_50 = arith.constant 0 : i32
        %dma_wait3A_51 = arith.constant 0 : i32
        %dma_wait3A_52 = tpu.memref_slice %arg3[%arg0, %scan3A_5, %arg1, %dma_wait3A, %dma_wait3A_49, %dma_wait3A_50, %dma_wait3A_51] : memref<2x4x16x20x4x2x128xi32, #tpu.memory_space<hbm>> -> memref<1x1x1x20x4x2x128xi32, #tpu.memory_space<hbm>>
        %dma_wait3A_53 = tpu.memref_squeeze %dma_wait3A_52 : memref<1x1x1x20x4x2x128xi32, #tpu.memory_space<hbm>> -> memref<20x4x2x128xi32, #tpu.memory_space<hbm>>
        %dma_wait3A_54 = arith.constant 0 : i32
        %dma_wait3A_55 = arith.constant 0 : i32
        %dma_wait3A_56 = arith.constant 0 : i32
        %dma_wait3A_57 = arith.constant 0 : i32
        %dma_wait3A_58 = tpu.memref_slice %arg3[%arg0, %scan3A_5, %arg1, %dma_wait3A_54, %dma_wait3A_55, %dma_wait3A_56, %dma_wait3A_57] : memref<2x4x16x20x4x2x128xi32, #tpu.memory_space<hbm>> -> memref<1x1x1x20x4x2x128xi32, #tpu.memory_space<hbm>>
        %dma_wait3A_59 = tpu.memref_squeeze %dma_wait3A_58 : memref<1x1x1x20x4x2x128xi32, #tpu.memory_space<hbm>> -> memref<20x4x2x128xi32, #tpu.memory_space<hbm>>
        tpu.wait_dma2 semaphore(%run_scoped3A : memref<!tpu.dma_semaphore, #tpu.memory_space<semaphore_mem>>) src(%dma_wait3A_59 : memref<20x4x2x128xi32, #tpu.memory_space<hbm>>) dst(%arg6 : memref<20x4x2x128xi32, #tpu.memory_space<vmem>>)
        tpu.yield
      }) : () -> ()
      %scan3A_26 = arith.constant 0 : i32
      %scan3A_27 = arith.constant 0 : i32
      %scan3A_28 = arith.constant 20 : i32
      %scan3A_29 = arith.addi %scan3A_27, %scan3A_28 : i32
      %scan3A_30 = arith.constant 1 : i32
      scf.for %scan3A_38 = %scan3A_27 to %scan3A_29 step %scan3A_30  : i32 {
        %dma_start3A = arith.constant 0 : i32
        %dma_start3A_39 = arith.constant 0 : i32
        %dma_start3A_40 = arith.constant 0 : i32
        %dma_start3A_41 = tpu.memref_slice %arg6[%scan3A_38, %dma_start3A, %dma_start3A_39, %dma_start3A_40] : memref<20x4x2x128xi32, #tpu.memory_space<vmem>> -> memref<1x1x1x128xi32, #tpu.memory_space<vmem>>
        %dma_start3A_42 = tpu.memref_squeeze %dma_start3A_41 : memref<1x1x1x128xi32, #tpu.memory_space<vmem>> -> memref<128xi32, #tpu.memory_space<vmem>>
        %dma_start3A_43 = arith.constant 0 : i32
        %dma_start3A_44 = arith.constant 0 : i32
        %dma_start3A_45 = tpu.memref_slice %arg2[%dma_start3A_43, %dma_start3A_44] : memref<40008x144xf32, #tpu.memory_space<hbm>> -> memref<40008x144xf32, #tpu.memory_space<hbm>>
        tpu.enqueue_indirect_dma source(%dma_start3A_45 : memref<40008x144xf32, #tpu.memory_space<hbm>>) target(%arg7 : memref<128x144xf32, #tpu.memory_space<vmem>>) offsets(%dma_start3A_42 : memref<128xi32, #tpu.memory_space<vmem>>) semaphore(%arg8 : memref<!tpu.dma_semaphore, #tpu.memory_space<semaphore_mem>>)
        %dma_wait3A = arith.constant 0 : i32
        %dma_wait3A_46 = arith.constant 0 : i32
        %dma_wait3A_47 = arith.constant 0 : i32
        %dma_wait3A_48 = tpu.memref_slice %arg6[%scan3A_38, %dma_wait3A, %dma_wait3A_46, %dma_wait3A_47] : memref<20x4x2x128xi32, #tpu.memory_space<vmem>> -> memref<1x1x1x128xi32, #tpu.memory_space<vmem>>
        %dma_wait3A_49 = tpu.memref_squeeze %dma_wait3A_48 : memref<1x1x1x128xi32, #tpu.memory_space<vmem>> -> memref<128xi32, #tpu.memory_space<vmem>>
        %dma_wait3A_50 = arith.constant 0 : i32
        %dma_wait3A_51 = arith.constant 0 : i32
        %dma_wait3A_52 = tpu.memref_slice %arg2[%dma_wait3A_50, %dma_wait3A_51] : memref<40008x144xf32, #tpu.memory_space<hbm>> -> memref<40008x144xf32, #tpu.memory_space<hbm>>
        tpu.wait_indirect_dma semaphore(%arg8 : memref<!tpu.dma_semaphore, #tpu.memory_space<semaphore_mem>>) src(%dma_wait3A_52 : memref<40008x144xf32, #tpu.memory_space<hbm>>) dst(%arg7 : memref<128x144xf32, #tpu.memory_space<vmem>>)
        %run_scoped3A = arith.constant 0 : i32
        %run_scoped3A_53 = arith.constant 1 : i32
        "tpu.region"() ({
          %run_scoped3A_108 = tpu.sem_alloc : memref<!tpu.dma_semaphore, #tpu.memory_space<semaphore_mem>>
          %dma_start3A_109 = arith.constant 0 : i32
          %dma_start3A_110 = tpu.memref_slice %arg6[%scan3A_38, %run_scoped3A, %run_scoped3A_53, %dma_start3A_109] : memref<20x4x2x128xi32, #tpu.memory_space<vmem>> -> memref<1x1x1x128xi32, #tpu.memory_space<vmem>>
          %dma_start3A_111 = tpu.memref_squeeze %dma_start3A_110 : memref<1x1x1x128xi32, #tpu.memory_space<vmem>> -> memref<128xi32, #tpu.memory_space<vmem>>
          %dma_start3A_112 = arith.constant 0 : i32
          %dma_start3A_113 = arith.constant 0 : i32
          %dma_start3A_114 = tpu.memref_slice %arg9[%dma_start3A_112, %dma_start3A_113] : memref<10000x144xf32, #tpu.memory_space<vmem_shared>> -> memref<10000x144xf32, #tpu.memory_space<vmem_shared>>
          tpu.enqueue_indirect_dma source(%arg7 : memref<128x144xf32, #tpu.memory_space<vmem>>) target(%dma_start3A_114 : memref<10000x144xf32, #tpu.memory_space<vmem_shared>>) offsets(%dma_start3A_111 : memref<128xi32, #tpu.memory_space<vmem>>) semaphore(%run_scoped3A_108 : memref<!tpu.dma_semaphore, #tpu.memory_space<semaphore_mem>>) {add = true}
          %dma_wait3A_115 = arith.constant 0 : i32
          %dma_wait3A_116 = tpu.memref_slice %arg6[%scan3A_38, %run_scoped3A, %run_scoped3A_53, %dma_wait3A_115] : memref<20x4x2x128xi32, #tpu.memory_space<vmem>> -> memref<1x1x1x128xi32, #tpu.memory_space<vmem>>
          %dma_wait3A_117 = tpu.memref_squeeze %dma_wait3A_116 : memref<1x1x1x128xi32, #tpu.memory_space<vmem>> -> memref<128xi32, #tpu.memory_space<vmem>>
          %dma_wait3A_118 = arith.constant 0 : i32
          %dma_wait3A_119 = arith.constant 0 : i32
          %dma_wait3A_120 = tpu.memref_slice %arg9[%dma_wait3A_118, %dma_wait3A_119] : memref<10000x144xf32, #tpu.memory_space<vmem_shared>> -> memref<10000x144xf32, #tpu.memory_space<vmem_shared>>
          tpu.wait_indirect_dma semaphore(%run_scoped3A_108 : memref<!tpu.dma_semaphore, #tpu.memory_space<semaphore_mem>>) src(%arg7 : memref<128x144xf32, #tpu.memory_space<vmem>>) dst(%dma_wait3A_120 : memref<10000x144xf32, #tpu.memory_space<vmem_shared>>)
          tpu.yield
        }) : () -> ()
        %dma_start3A_54 = arith.constant 1 : i32
        %dma_start3A_55 = arith.constant 0 : i32
        %dma_start3A_56 = arith.constant 0 : i32
        %dma_start3A_57 = tpu.memref_slice %arg6[%scan3A_38, %dma_start3A_54, %dma_start3A_55, %dma_start3A_56] : memref<20x4x2x128xi32, #tpu.memory_space<vmem>> -> memref<1x1x1x128xi32, #tpu.memory_space<vmem>>
        %dma_start3A_58 = tpu.memref_squeeze %dma_start3A_57 : memref<1x1x1x128xi32, #tpu.memory_space<vmem>> -> memref<128xi32, #tpu.memory_space<vmem>>
        %dma_start3A_59 = arith.constant 0 : i32
        %dma_start3A_60 = arith.constant 0 : i32
        %dma_start3A_61 = tpu.memref_slice %arg2[%dma_start3A_59, %dma_start3A_60] : memref<40008x144xf32, #tpu.memory_space<hbm>> -> memref<40008x144xf32, #tpu.memory_space<hbm>>
        tpu.enqueue_indirect_dma source(%dma_start3A_61 : memref<40008x144xf32, #tpu.memory_space<hbm>>) target(%arg7 : memref<128x144xf32, #tpu.memory_space<vmem>>) offsets(%dma_start3A_58 : memref<128xi32, #tpu.memory_space<vmem>>) semaphore(%arg8 : memref<!tpu.dma_semaphore, #tpu.memory_space<semaphore_mem>>)
        %dma_wait3A_62 = arith.constant 1 : i32
        %dma_wait3A_63 = arith.constant 0 : i32
        %dma_wait3A_64 = arith.constant 0 : i32
        %dma_wait3A_65 = tpu.memref_slice %arg6[%scan3A_38, %dma_wait3A_62, %dma_wait3A_63, %dma_wait3A_64] : memref<20x4x2x128xi32, #tpu.memory_space<vmem>> -> memref<1x1x1x128xi32, #tpu.memory_space<vmem>>
        %dma_wait3A_66 = tpu.memref_squeeze %dma_wait3A_65 : memref<1x1x1x128xi32, #tpu.memory_space<vmem>> -> memref<128xi32, #tpu.memory_space<vmem>>
        %dma_wait3A_67 = arith.constant 0 : i32
        %dma_wait3A_68 = arith.constant 0 : i32
        %dma_wait3A_69 = tpu.memref_slice %arg2[%dma_wait3A_67, %dma_wait3A_68] : memref<40008x144xf32, #tpu.memory_space<hbm>> -> memref<40008x144xf32, #tpu.memory_space<hbm>>
        tpu.wait_indirect_dma semaphore(%arg8 : memref<!tpu.dma_semaphore, #tpu.memory_space<semaphore_mem>>) src(%dma_wait3A_69 : memref<40008x144xf32, #tpu.memory_space<hbm>>) dst(%arg7 : memref<128x144xf32, #tpu.memory_space<vmem>>)
        %run_scoped3A_70 = arith.constant 1 : i32
        %run_scoped3A_71 = arith.constant 1 : i32
        "tpu.region"() ({
          %run_scoped3A_108 = tpu.sem_alloc : memref<!tpu.dma_semaphore, #tpu.memory_space<semaphore_mem>>
          %dma_start3A_109 = arith.constant 0 : i32
          %dma_start3A_110 = tpu.memref_slice %arg6[%scan3A_38, %run_scoped3A_70, %run_scoped3A_71, %dma_start3A_109] : memref<20x4x2x128xi32, #tpu.memory_space<vmem>> -> memref<1x1x1x128xi32, #tpu.memory_space<vmem>>
          %dma_start3A_111 = tpu.memref_squeeze %dma_start3A_110 : memref<1x1x1x128xi32, #tpu.memory_space<vmem>> -> memref<128xi32, #tpu.memory_space<vmem>>
          %dma_start3A_112 = arith.constant 0 : i32
          %dma_start3A_113 = arith.constant 0 : i32
          %dma_start3A_114 = tpu.memref_slice %arg9[%dma_start3A_112, %dma_start3A_113] : memref<10000x144xf32, #tpu.memory_space<vmem_shared>> -> memref<10000x144xf32, #tpu.memory_space<vmem_shared>>
          tpu.enqueue_indirect_dma source(%arg7 : memref<128x144xf32, #tpu.memory_space<vmem>>) target(%dma_start3A_114 : memref<10000x144xf32, #tpu.memory_space<vmem_shared>>) offsets(%dma_start3A_111 : memref<128xi32, #tpu.memory_space<vmem>>) semaphore(%run_scoped3A_108 : memref<!tpu.dma_semaphore, #tpu.memory_space<semaphore_mem>>) {add = true}
          %dma_wait3A_115 = arith.constant 0 : i32
          %dma_wait3A_116 = tpu.memref_slice %arg6[%scan3A_38, %run_scoped3A_70, %run_scoped3A_71, %dma_wait3A_115] : memref<20x4x2x128xi32, #tpu.memory_space<vmem>> -> memref<1x1x1x128xi32, #tpu.memory_space<vmem>>
          %dma_wait3A_117 = tpu.memref_squeeze %dma_wait3A_116 : memref<1x1x1x128xi32, #tpu.memory_space<vmem>> -> memref<128xi32, #tpu.memory_space<vmem>>
          %dma_wait3A_118 = arith.constant 0 : i32
          %dma_wait3A_119 = arith.constant 0 : i32
          %dma_wait3A_120 = tpu.memref_slice %arg9[%dma_wait3A_118, %dma_wait3A_119] : memref<10000x144xf32, #tpu.memory_space<vmem_shared>> -> memref<10000x144xf32, #tpu.memory_space<vmem_shared>>
          tpu.wait_indirect_dma semaphore(%run_scoped3A_108 : memref<!tpu.dma_semaphore, #tpu.memory_space<semaphore_mem>>) src(%arg7 : memref<128x144xf32, #tpu.memory_space<vmem>>) dst(%dma_wait3A_120 : memref<10000x144xf32, #tpu.memory_space<vmem_shared>>)
          tpu.yield
        }) : () -> ()
        %dma_start3A_72 = arith.constant 2 : i32
        %dma_start3A_73 = arith.constant 0 : i32
        %dma_start3A_74 = arith.constant 0 : i32
        %dma_start3A_75 = tpu.memref_slice %arg6[%scan3A_38, %dma_start3A_72, %dma_start3A_73, %dma_start3A_74] : memref<20x4x2x128xi32, #tpu.memory_space<vmem>> -> memref<1x1x1x128xi32, #tpu.memory_space<vmem>>
        %dma_start3A_76 = tpu.memref_squeeze %dma_start3A_75 : memref<1x1x1x128xi32, #tpu.memory_space<vmem>> -> memref<128xi32, #tpu.memory_space<vmem>>
        %dma_start3A_77 = arith.constant 0 : i32
        %dma_start3A_78 = arith.constant 0 : i32
        %dma_start3A_79 = tpu.memref_slice %arg2[%dma_start3A_77, %dma_start3A_78] : memref<40008x144xf32, #tpu.memory_space<hbm>> -> memref<40008x144xf32, #tpu.memory_space<hbm>>
        tpu.enqueue_indirect_dma source(%dma_start3A_79 : memref<40008x144xf32, #tpu.memory_space<hbm>>) target(%arg7 : memref<128x144xf32, #tpu.memory_space<vmem>>) offsets(%dma_start3A_76 : memref<128xi32, #tpu.memory_space<vmem>>) semaphore(%arg8 : memref<!tpu.dma_semaphore, #tpu.memory_space<semaphore_mem>>)
        %dma_wait3A_80 = arith.constant 2 : i32
        %dma_wait3A_81 = arith.constant 0 : i32
        %dma_wait3A_82 = arith.constant 0 : i32
        %dma_wait3A_83 = tpu.memref_slice %arg6[%scan3A_38, %dma_wait3A_80, %dma_wait3A_81, %dma_wait3A_82] : memref<20x4x2x128xi32, #tpu.memory_space<vmem>> -> memref<1x1x1x128xi32, #tpu.memory_space<vmem>>
        %dma_wait3A_84 = tpu.memref_squeeze %dma_wait3A_83 : memref<1x1x1x128xi32, #tpu.memory_space<vmem>> -> memref<128xi32, #tpu.memory_space<vmem>>
        %dma_wait3A_85 = arith.constant 0 : i32
        %dma_wait3A_86 = arith.constant 0 : i32
        %dma_wait3A_87 = tpu.memref_slice %arg2[%dma_wait3A_85, %dma_wait3A_86] : memref<40008x144xf32, #tpu.memory_space<hbm>> -> memref<40008x144xf32, #tpu.memory_space<hbm>>
        tpu.wait_indirect_dma semaphore(%arg8 : memref<!tpu.dma_semaphore, #tpu.memory_space<semaphore_mem>>) src(%dma_wait3A_87 : memref<40008x144xf32, #tpu.memory_space<hbm>>) dst(%arg7 : memref<128x144xf32, #tpu.memory_space<vmem>>)
        %run_scoped3A_88 = arith.constant 2 : i32
        %run_scoped3A_89 = arith.constant 1 : i32
        "tpu.region"() ({
          %run_scoped3A_108 = tpu.sem_alloc : memref<!tpu.dma_semaphore, #tpu.memory_space<semaphore_mem>>
          %dma_start3A_109 = arith.constant 0 : i32
          %dma_start3A_110 = tpu.memref_slice %arg6[%scan3A_38, %run_scoped3A_88, %run_scoped3A_89, %dma_start3A_109] : memref<20x4x2x128xi32, #tpu.memory_space<vmem>> -> memref<1x1x1x128xi32, #tpu.memory_space<vmem>>
          %dma_start3A_111 = tpu.memref_squeeze %dma_start3A_110 : memref<1x1x1x128xi32, #tpu.memory_space<vmem>> -> memref<128xi32, #tpu.memory_space<vmem>>
          %dma_start3A_112 = arith.constant 0 : i32
          %dma_start3A_113 = arith.constant 0 : i32
          %dma_start3A_114 = tpu.memref_slice %arg9[%dma_start3A_112, %dma_start3A_113] : memref<10000x144xf32, #tpu.memory_space<vmem_shared>> -> memref<10000x144xf32, #tpu.memory_space<vmem_shared>>
          tpu.enqueue_indirect_dma source(%arg7 : memref<128x144xf32, #tpu.memory_space<vmem>>) target(%dma_start3A_114 : memref<10000x144xf32, #tpu.memory_space<vmem_shared>>) offsets(%dma_start3A_111 : memref<128xi32, #tpu.memory_space<vmem>>) semaphore(%run_scoped3A_108 : memref<!tpu.dma_semaphore, #tpu.memory_space<semaphore_mem>>) {add = true}
          %dma_wait3A_115 = arith.constant 0 : i32
          %dma_wait3A_116 = tpu.memref_slice %arg6[%scan3A_38, %run_scoped3A_88, %run_scoped3A_89, %dma_wait3A_115] : memref<20x4x2x128xi32, #tpu.memory_space<vmem>> -> memref<1x1x1x128xi32, #tpu.memory_space<vmem>>
          %dma_wait3A_117 = tpu.memref_squeeze %dma_wait3A_116 : memref<1x1x1x128xi32, #tpu.memory_space<vmem>> -> memref<128xi32, #tpu.memory_space<vmem>>
          %dma_wait3A_118 = arith.constant 0 : i32
          %dma_wait3A_119 = arith.constant 0 : i32
          %dma_wait3A_120 = tpu.memref_slice %arg9[%dma_wait3A_118, %dma_wait3A_119] : memref<10000x144xf32, #tpu.memory_space<vmem_shared>> -> memref<10000x144xf32, #tpu.memory_space<vmem_shared>>
          tpu.wait_indirect_dma semaphore(%run_scoped3A_108 : memref<!tpu.dma_semaphore, #tpu.memory_space<semaphore_mem>>) src(%arg7 : memref<128x144xf32, #tpu.memory_space<vmem>>) dst(%dma_wait3A_120 : memref<10000x144xf32, #tpu.memory_space<vmem_shared>>)
          tpu.yield
        }) : () -> ()
        %dma_start3A_90 = arith.constant 3 : i32
        %dma_start3A_91 = arith.constant 0 : i32
        %dma_start3A_92 = arith.constant 0 : i32
        %dma_start3A_93 = tpu.memref_slice %arg6[%scan3A_38, %dma_start3A_90, %dma_start3A_91, %dma_start3A_92] : memref<20x4x2x128xi32, #tpu.memory_space<vmem>> -> memref<1x1x1x128xi32, #tpu.memory_space<vmem>>
        %dma_start3A_94 = tpu.memref_squeeze %dma_start3A_93 : memref<1x1x1x128xi32, #tpu.memory_space<vmem>> -> memref<128xi32, #tpu.memory_space<vmem>>
        %dma_start3A_95 = arith.constant 0 : i32
        %dma_start3A_96 = arith.constant 0 : i32
        %dma_start3A_97 = tpu.memref_slice %arg2[%dma_start3A_95, %dma_start3A_96] : memref<40008x144xf32, #tpu.memory_space<hbm>> -> memref<40008x144xf32, #tpu.memory_space<hbm>>
        tpu.enqueue_indirect_dma source(%dma_start3A_97 : memref<40008x144xf32, #tpu.memory_space<hbm>>) target(%arg7 : memref<128x144xf32, #tpu.memory_space<vmem>>) offsets(%dma_start3A_94 : memref<128xi32, #tpu.memory_space<vmem>>) semaphore(%arg8 : memref<!tpu.dma_semaphore, #tpu.memory_space<semaphore_mem>>)
        %dma_wait3A_98 = arith.constant 3 : i32
        %dma_wait3A_99 = arith.constant 0 : i32
        %dma_wait3A_100 = arith.constant 0 : i32
        %dma_wait3A_101 = tpu.memref_slice %arg6[%scan3A_38, %dma_wait3A_98, %dma_wait3A_99, %dma_wait3A_100] : memref<20x4x2x128xi32, #tpu.memory_space<vmem>> -> memref<1x1x1x128xi32, #tpu.memory_space<vmem>>
        %dma_wait3A_102 = tpu.memref_squeeze %dma_wait3A_101 : memref<1x1x1x128xi32, #tpu.memory_space<vmem>> -> memref<128xi32, #tpu.memory_space<vmem>>
        %dma_wait3A_103 = arith.constant 0 : i32
        %dma_wait3A_104 = arith.constant 0 : i32
        %dma_wait3A_105 = tpu.memref_slice %arg2[%dma_wait3A_103, %dma_wait3A_104] : memref<40008x144xf32, #tpu.memory_space<hbm>> -> memref<40008x144xf32, #tpu.memory_space<hbm>>
        tpu.wait_indirect_dma semaphore(%arg8 : memref<!tpu.dma_semaphore, #tpu.memory_space<semaphore_mem>>) src(%dma_wait3A_105 : memref<40008x144xf32, #tpu.memory_space<hbm>>) dst(%arg7 : memref<128x144xf32, #tpu.memory_space<vmem>>)
        %run_scoped3A_106 = arith.constant 3 : i32
        %run_scoped3A_107 = arith.constant 1 : i32
        "tpu.region"() ({
          %run_scoped3A_108 = tpu.sem_alloc : memref<!tpu.dma_semaphore, #tpu.memory_space<semaphore_mem>>
          %dma_start3A_109 = arith.constant 0 : i32
          %dma_start3A_110 = tpu.memref_slice %arg6[%scan3A_38, %run_scoped3A_106, %run_scoped3A_107, %dma_start3A_109] : memref<20x4x2x128xi32, #tpu.memory_space<vmem>> -> memref<1x1x1x128xi32, #tpu.memory_space<vmem>>
          %dma_start3A_111 = tpu.memref_squeeze %dma_start3A_110 : memref<1x1x1x128xi32, #tpu.memory_space<vmem>> -> memref<128xi32, #tpu.memory_space<vmem>>
          %dma_start3A_112 = arith.constant 0 : i32
          %dma_start3A_113 = arith.constant 0 : i32
          %dma_start3A_114 = tpu.memref_slice %arg9[%dma_start3A_112, %dma_start3A_113] : memref<10000x144xf32, #tpu.memory_space<vmem_shared>> -> memref<10000x144xf32, #tpu.memory_space<vmem_shared>>
          tpu.enqueue_indirect_dma source(%arg7 : memref<128x144xf32, #tpu.memory_space<vmem>>) target(%dma_start3A_114 : memref<10000x144xf32, #tpu.memory_space<vmem_shared>>) offsets(%dma_start3A_111 : memref<128xi32, #tpu.memory_space<vmem>>) semaphore(%run_scoped3A_108 : memref<!tpu.dma_semaphore, #tpu.memory_space<semaphore_mem>>) {add = true}
          %dma_wait3A_115 = arith.constant 0 : i32
          %dma_wait3A_116 = tpu.memref_slice %arg6[%scan3A_38, %run_scoped3A_106, %run_scoped3A_107, %dma_wait3A_115] : memref<20x4x2x128xi32, #tpu.memory_space<vmem>> -> memref<1x1x1x128xi32, #tpu.memory_space<vmem>>
          %dma_wait3A_117 = tpu.memref_squeeze %dma_wait3A_116 : memref<1x1x1x128xi32, #tpu.memory_space<vmem>> -> memref<128xi32, #tpu.memory_space<vmem>>
          %dma_wait3A_118 = arith.constant 0 : i32
          %dma_wait3A_119 = arith.constant 0 : i32
          %dma_wait3A_120 = tpu.memref_slice %arg9[%dma_wait3A_118, %dma_wait3A_119] : memref<10000x144xf32, #tpu.memory_space<vmem_shared>> -> memref<10000x144xf32, #tpu.memory_space<vmem_shared>>
          tpu.wait_indirect_dma semaphore(%run_scoped3A_108 : memref<!tpu.dma_semaphore, #tpu.memory_space<semaphore_mem>>) src(%arg7 : memref<128x144xf32, #tpu.memory_space<vmem>>) dst(%dma_wait3A_120 : memref<10000x144xf32, #tpu.memory_space<vmem_shared>>)
          tpu.yield
        }) : () -> ()
      }
      %scan3A_31 = arith.constant 20 : i32
      %barrier3A_32 = arith.constant 0 : index
      tpu.barrier barrier_id(%barrier3A_32)
      %mul3A_33 = arith.constant 625 : i32
      %mul3A_34 = arith.muli %arg1, %mul3A_33 : i32
      %mul3A_35 = arith.constant 625 : i32
      %mul3A_36 = arith.muli %arg1, %mul3A_35 : i32
      "tpu.region"() ({
        %run_scoped3A = tpu.sem_alloc : memref<!tpu.dma_semaphore, #tpu.memory_space<semaphore_mem>>
        %dma_start3A = arith.constant 0 : i32
        %dma_start3A_38 = tpu.memref_slice %arg5[%arg0, %scan3A_5, %mul3A_36, %dma_start3A] : memref<2x4x10000x144xf32, #tpu.memory_space<hbm>> -> memref<1x1x625x144xf32, #tpu.memory_space<hbm>>
        %dma_start3A_39 = tpu.memref_squeeze %dma_start3A_38 : memref<1x1x625x144xf32, #tpu.memory_space<hbm>> -> memref<625x144xf32, #tpu.memory_space<hbm>>
        %dma_start3A_40 = arith.constant 0 : i32
        %dma_start3A_41 = tpu.memref_slice %arg9[%mul3A_34, %dma_start3A_40] : memref<10000x144xf32, #tpu.memory_space<vmem_shared>> -> memref<625x144xf32, #tpu.memory_space<vmem_shared>>
        tpu.enqueue_dma source(%dma_start3A_41 : memref<625x144xf32, #tpu.memory_space<vmem_shared>>) target(%dma_start3A_39 : memref<625x144xf32, #tpu.memory_space<hbm>>) target_semaphore(%run_scoped3A : memref<!tpu.dma_semaphore, #tpu.memory_space<semaphore_mem>>)
        %dma_wait3A = arith.constant 0 : i32
        %dma_wait3A_42 = tpu.memref_slice %arg5[%arg0, %scan3A_5, %mul3A_36, %dma_wait3A] : memref<2x4x10000x144xf32, #tpu.memory_space<hbm>> -> memref<1x1x625x144xf32, #tpu.memory_space<hbm>>
        %dma_wait3A_43 = tpu.memref_squeeze %dma_wait3A_42 : memref<1x1x625x144xf32, #tpu.memory_space<hbm>> -> memref<625x144xf32, #tpu.memory_space<hbm>>
        %dma_wait3A_44 = arith.constant 0 : i32
        %dma_wait3A_45 = tpu.memref_slice %arg9[%mul3A_34, %dma_wait3A_44] : memref<10000x144xf32, #tpu.memory_space<vmem_shared>> -> memref<625x144xf32, #tpu.memory_space<vmem_shared>>
        tpu.wait_dma2 semaphore(%run_scoped3A : memref<!tpu.dma_semaphore, #tpu.memory_space<semaphore_mem>>) src(%dma_wait3A_45 : memref<625x144xf32, #tpu.memory_space<vmem_shared>>) dst(%dma_wait3A_43 : memref<625x144xf32, #tpu.memory_space<hbm>>)
        tpu.yield
      }) : () -> ()
      %barrier3A_37 = arith.constant 0 : index
      tpu.barrier barrier_id(%barrier3A_37)
    }
    %scan3A_4 = arith.constant 4 : i32
    return
  }
}

module attributes {stable_mosaic.version = 14 : i64} {
  func.func @_dense_body(%arg0: i32, %arg1: i32, %arg2: memref<1x2000x144xf32, #tpu.memory_space<vmem>>, %arg3: memref<1x1x2000x144xf32, #tpu.memory_space<vmem>>, %arg4: memref<1x1x2000x144xf32, #tpu.memory_space<vmem>>, %arg5: memref<3x144x128xf32, #tpu.memory_space<vmem>>, %arg6: memref<3x144x128xf32, #tpu.memory_space<vmem>>, %arg7: memref<128x128xf32, #tpu.memory_space<vmem>>, %arg8: memref<128x128xf32, #tpu.memory_space<vmem>>, %arg9: memref<1x128xf32, #tpu.memory_space<vmem>>, %arg10: memref<128x128xf32, #tpu.memory_space<vmem>>, %arg11: memref<128x128xf32, #tpu.memory_space<vmem>>, %arg12: memref<1x128xf32, #tpu.memory_space<vmem>>, %arg13: memref<128x128xf32, #tpu.memory_space<vmem>>, %arg14: memref<128x128xf32, #tpu.memory_space<vmem>>, %arg15: memref<128x128xf32, #tpu.memory_space<vmem>>, %arg16: memref<1x128xf32, #tpu.memory_space<vmem>>, %arg17: memref<128x64xf32, #tpu.memory_space<vmem>>, %arg18: memref<1x64xf32, #tpu.memory_space<vmem>>, %arg19: memref<8x64xf32, #tpu.memory_space<vmem>>) attributes {dimension_semantics = [#tpu.dimension_semantics<arbitrary>, #tpu.dimension_semantics<arbitrary>], iteration_bounds = array<i64: 4, 5>, scalar_prefetch = 0 : i64, scratch_operands = 0 : i64, tpu.core_type = #tpu.core_type<tc>, window_params = [{transform_indices = @transform_0, window_bounds = array<i64: 1, 2000, 144>}, {transform_indices = @transform_1, window_bounds = array<i64: 1, 1, 2000, 144>}, {transform_indices = @transform_2, window_bounds = array<i64: 1, 1, 2000, 144>}, {pipeline_mode = #tpu.pipeline_mode<synchronous>, transform_indices = @transform_3, window_bounds = array<i64: 3, 144, 128>}, {pipeline_mode = #tpu.pipeline_mode<synchronous>, transform_indices = @transform_4, window_bounds = array<i64: 3, 144, 128>}, {pipeline_mode = #tpu.pipeline_mode<synchronous>, transform_indices = @transform_5, window_bounds = array<i64: 128, 128>}, {pipeline_mode = #tpu.pipeline_mode<synchronous>, transform_indices = @transform_6, window_bounds = array<i64: 128, 128>}, {pipeline_mode = #tpu.pipeline_mode<synchronous>, transform_indices = @transform_7, window_bounds = array<i64: 1, 128>}, {pipeline_mode = #tpu.pipeline_mode<synchronous>, transform_indices = @transform_8, window_bounds = array<i64: 128, 128>}, {pipeline_mode = #tpu.pipeline_mode<synchronous>, transform_indices = @transform_9, window_bounds = array<i64: 128, 128>}, {pipeline_mode = #tpu.pipeline_mode<synchronous>, transform_indices = @transform_10, window_bounds = array<i64: 1, 128>}, {pipeline_mode = #tpu.pipeline_mode<synchronous>, transform_indices = @transform_11, window_bounds = array<i64: 128, 128>}, {pipeline_mode = #tpu.pipeline_mode<synchronous>, transform_indices = @transform_12, window_bounds = array<i64: 128, 128>}, {pipeline_mode = #tpu.pipeline_mode<synchronous>, transform_indices = @transform_13, window_bounds = array<i64: 128, 128>}, {pipeline_mode = #tpu.pipeline_mode<synchronous>, transform_indices = @transform_14, window_bounds = array<i64: 1, 128>}, {pipeline_mode = #tpu.pipeline_mode<synchronous>, transform_indices = @transform_15, window_bounds = array<i64: 128, 64>}, {pipeline_mode = #tpu.pipeline_mode<synchronous>, transform_indices = @transform_16, window_bounds = array<i64: 1, 64>}, {pipeline_mode = #tpu.pipeline_mode<synchronous>, transform_indices = @transform_17, window_bounds = array<i64: 8, 64>}]} {
    %get3A = arith.constant 0 : index
    %get3A_0 = arith.constant 0 : index
    %get3A_1 = arith.constant 0 : index
    %get3A_2 = vector.load %arg2[%get3A, %get3A_0, %get3A_1] : memref<1x2000x144xf32, #tpu.memory_space<vmem>>, vector<1x2000x144xf32>
    %get3A_3 = vector.shape_cast %get3A_2 : vector<1x2000x144xf32> to vector<2000x144xf32>
    %get3A_4 = arith.constant 0 : index
    %get3A_5 = arith.constant 0 : index
    %get3A_6 = arith.constant 0 : index
    %get3A_7 = arith.constant 0 : index
    %get3A_8 = vector.load %arg3[%get3A_4, %get3A_5, %get3A_6, %get3A_7] : memref<1x1x2000x144xf32, #tpu.memory_space<vmem>>, vector<1x1x2000x144xf32>
    %get3A_9 = vector.shape_cast %get3A_8 : vector<1x1x2000x144xf32> to vector<2000x144xf32>
    %add3A = arith.addf %get3A_9, %get3A_3 : vector<2000x144xf32>
    %get3A_10 = arith.constant 0 : index
    %get3A_11 = arith.constant 0 : index
    %get3A_12 = arith.constant 0 : index
    %get3A_13 = arith.constant 0 : index
    %get3A_14 = vector.load %arg4[%get3A_10, %get3A_11, %get3A_12, %get3A_13] : memref<1x1x2000x144xf32, #tpu.memory_space<vmem>>, vector<1x1x2000x144xf32>
    %get3A_15 = vector.shape_cast %get3A_14 : vector<1x1x2000x144xf32> to vector<2000x144xf32>
    %add3A_16 = arith.addf %get3A_15, %get3A_3 : vector<2000x144xf32>
    %broadcast_in_dim3A = arith.constant 0.000000e+00 : f32
    %broadcast_in_dim3A_17 = vector.broadcast %broadcast_in_dim3A : f32 to vector<1x64xf32>
    %get3A_18 = arith.constant 0 : index
    %get3A_19 = arith.constant 0 : index
    %get3A_20 = arith.constant 0 : index
    %get3A_21 = vector.load %arg5[%get3A_18, %get3A_19, %get3A_20] : memref<3x144x128xf32, #tpu.memory_space<vmem>>, vector<1x144x128xf32>
    %get3A_22 = vector.shape_cast %get3A_21 : vector<1x144x128xf32> to vector<144x128xf32>
    %dot_general3A = arith.constant dense<0.000000e+00> : vector<2000x128xf32>
    %dot_general3A_23 = tpu.matmul %add3A, %get3A_22, %dot_general3A {dimension_numbers = #tpu.dot_dimension_numbers<[1], [0], [0], [1], [0, 0, 1, 1], [], []>, transpose_lhs_hint = false} : vector<2000x144xf32>, vector<144x128xf32>, vector<2000x128xf32> -> vector<2000x128xf32>
    %get3A_24 = arith.constant 0 : index
    %get3A_25 = arith.constant 0 : index
    %get3A_26 = arith.constant 0 : index
    %get3A_27 = vector.load %arg6[%get3A_24, %get3A_25, %get3A_26] : memref<3x144x128xf32, #tpu.memory_space<vmem>>, vector<1x144x128xf32>
    %get3A_28 = vector.shape_cast %get3A_27 : vector<1x144x128xf32> to vector<144x128xf32>
    %dot_general3A_29 = arith.constant dense<0.000000e+00> : vector<2000x128xf32>
    %dot_general3A_30 = tpu.matmul %add3A_16, %get3A_28, %dot_general3A_29 {dimension_numbers = #tpu.dot_dimension_numbers<[1], [0], [0], [1], [0, 0, 1, 1], [], []>, transpose_lhs_hint = false} : vector<2000x144xf32>, vector<144x128xf32>, vector<2000x128xf32> -> vector<2000x128xf32>
    %get3A_31 = arith.constant 0 : index
    %get3A_32 = arith.constant 0 : index
    %get3A_33 = vector.load %arg7[%get3A_31, %get3A_32] : memref<128x128xf32, #tpu.memory_space<vmem>>, vector<128x128xf32>
    %dot_general3A_34 = arith.constant dense<0.000000e+00> : vector<2000x128xf32>
    %dot_general3A_35 = tpu.matmul %dot_general3A_23, %get3A_33, %dot_general3A_34 {dimension_numbers = #tpu.dot_dimension_numbers<[1], [0], [0], [1], [0, 0, 1, 1], [], []>, transpose_lhs_hint = false} : vector<2000x128xf32>, vector<128x128xf32>, vector<2000x128xf32> -> vector<2000x128xf32>
    %get3A_36 = arith.constant 0 : index
    %get3A_37 = arith.constant 0 : index
    %get3A_38 = vector.load %arg8[%get3A_36, %get3A_37] : memref<128x128xf32, #tpu.memory_space<vmem>>, vector<128x128xf32>
    %dot_general3A_39 = arith.constant dense<0.000000e+00> : vector<2000x128xf32>
    %dot_general3A_40 = tpu.matmul %dot_general3A_30, %get3A_38, %dot_general3A_39 {dimension_numbers = #tpu.dot_dimension_numbers<[1], [0], [0], [1], [0, 0, 1, 1], [], []>, transpose_lhs_hint = false} : vector<2000x128xf32>, vector<128x128xf32>, vector<2000x128xf32> -> vector<2000x128xf32>
    %add3A_41 = arith.addf %dot_general3A_35, %dot_general3A_40 : vector<2000x128xf32>
    %get3A_42 = arith.constant 0 : index
    %get3A_43 = arith.constant 0 : index
    %get3A_44 = vector.load %arg9[%get3A_42, %get3A_43] : memref<1x128xf32, #tpu.memory_space<vmem>>, vector<1x128xf32>
    %add3A_45 = vector.broadcast %get3A_44 : vector<1x128xf32> to vector<2000x128xf32>
    %add3A_46 = arith.addf %add3A_41, %add3A_45 : vector<2000x128xf32>
    %logistic3A = arith.negf %add3A_46 : vector<2000x128xf32>
    %logistic3A_47 = math.exp %logistic3A : vector<2000x128xf32>
    %logistic3A_48 = arith.constant 1.000000e+00 : f32
    %logistic3A_49 = vector.broadcast %logistic3A_48 : f32 to vector<2000x128xf32>
    %logistic3A_50 = arith.addf %logistic3A_49, %logistic3A_47 : vector<2000x128xf32>
    %logistic3A_51 = arith.divf %logistic3A_49, %logistic3A_50 : vector<2000x128xf32>
    %get3A_52 = arith.constant 0 : index
    %get3A_53 = arith.constant 0 : index
    %get3A_54 = vector.load %arg10[%get3A_52, %get3A_53] : memref<128x128xf32, #tpu.memory_space<vmem>>, vector<128x128xf32>
    %dot_general3A_55 = arith.constant dense<0.000000e+00> : vector<2000x128xf32>
    %dot_general3A_56 = tpu.matmul %dot_general3A_23, %get3A_54, %dot_general3A_55 {dimension_numbers = #tpu.dot_dimension_numbers<[1], [0], [0], [1], [0, 0, 1, 1], [], []>, transpose_lhs_hint = false} : vector<2000x128xf32>, vector<128x128xf32>, vector<2000x128xf32> -> vector<2000x128xf32>
    %get3A_57 = arith.constant 0 : index
    %get3A_58 = arith.constant 0 : index
    %get3A_59 = vector.load %arg11[%get3A_57, %get3A_58] : memref<128x128xf32, #tpu.memory_space<vmem>>, vector<128x128xf32>
    %dot_general3A_60 = arith.constant dense<0.000000e+00> : vector<2000x128xf32>
    %dot_general3A_61 = tpu.matmul %dot_general3A_30, %get3A_59, %dot_general3A_60 {dimension_numbers = #tpu.dot_dimension_numbers<[1], [0], [0], [1], [0, 0, 1, 1], [], []>, transpose_lhs_hint = false} : vector<2000x128xf32>, vector<128x128xf32>, vector<2000x128xf32> -> vector<2000x128xf32>
    %add3A_62 = arith.addf %dot_general3A_56, %dot_general3A_61 : vector<2000x128xf32>
    %get3A_63 = arith.constant 0 : index
    %get3A_64 = arith.constant 0 : index
    %get3A_65 = vector.load %arg12[%get3A_63, %get3A_64] : memref<1x128xf32, #tpu.memory_space<vmem>>, vector<1x128xf32>
    %add3A_66 = vector.broadcast %get3A_65 : vector<1x128xf32> to vector<2000x128xf32>
    %add3A_67 = arith.addf %add3A_62, %add3A_66 : vector<2000x128xf32>
    %logistic3A_68 = arith.negf %add3A_67 : vector<2000x128xf32>
    %logistic3A_69 = math.exp %logistic3A_68 : vector<2000x128xf32>
    %logistic3A_70 = arith.constant 1.000000e+00 : f32
    %logistic3A_71 = vector.broadcast %logistic3A_70 : f32 to vector<2000x128xf32>
    %logistic3A_72 = arith.addf %logistic3A_71, %logistic3A_69 : vector<2000x128xf32>
    %logistic3A_73 = arith.divf %logistic3A_71, %logistic3A_72 : vector<2000x128xf32>
    %get3A_74 = arith.constant 0 : index
    %get3A_75 = arith.constant 0 : index
    %get3A_76 = vector.load %arg13[%get3A_74, %get3A_75] : memref<128x128xf32, #tpu.memory_space<vmem>>, vector<128x128xf32>
    %dot_general3A_77 = arith.constant dense<0.000000e+00> : vector<2000x128xf32>
    %dot_general3A_78 = tpu.matmul %dot_general3A_23, %get3A_76, %dot_general3A_77 {dimension_numbers = #tpu.dot_dimension_numbers<[1], [0], [0], [1], [0, 0, 1, 1], [], []>, transpose_lhs_hint = false} : vector<2000x128xf32>, vector<128x128xf32>, vector<2000x128xf32> -> vector<2000x128xf32>
    %get3A_79 = arith.constant 0 : index
    %get3A_80 = arith.constant 0 : index
    %get3A_81 = vector.load %arg14[%get3A_79, %get3A_80] : memref<128x128xf32, #tpu.memory_space<vmem>>, vector<128x128xf32>
    %dot_general3A_82 = arith.constant dense<0.000000e+00> : vector<2000x128xf32>
    %dot_general3A_83 = tpu.matmul %dot_general3A_30, %get3A_81, %dot_general3A_82 {dimension_numbers = #tpu.dot_dimension_numbers<[1], [0], [0], [1], [0, 0, 1, 1], [], []>, transpose_lhs_hint = false} : vector<2000x128xf32>, vector<128x128xf32>, vector<2000x128xf32> -> vector<2000x128xf32>
    %add3A_84 = arith.addf %dot_general3A_78, %dot_general3A_83 : vector<2000x128xf32>
    %get3A_85 = arith.constant 0 : index
    %get3A_86 = arith.constant 0 : index
    %get3A_87 = vector.load %arg15[%get3A_85, %get3A_86] : memref<128x128xf32, #tpu.memory_space<vmem>>, vector<128x128xf32>
    %dot_general3A_88 = arith.constant dense<0.000000e+00> : vector<2000x128xf32>
    %dot_general3A_89 = tpu.matmul %logistic3A_51, %get3A_87, %dot_general3A_88 {dimension_numbers = #tpu.dot_dimension_numbers<[1], [0], [0], [1], [0, 0, 1, 1], [], []>, transpose_lhs_hint = false} : vector<2000x128xf32>, vector<128x128xf32>, vector<2000x128xf32> -> vector<2000x128xf32>
    %add3A_90 = arith.addf %add3A_84, %dot_general3A_89 : vector<2000x128xf32>
    %get3A_91 = arith.constant 0 : index
    %get3A_92 = arith.constant 0 : index
    %get3A_93 = vector.load %arg16[%get3A_91, %get3A_92] : memref<1x128xf32, #tpu.memory_space<vmem>>, vector<1x128xf32>
    %add3A_94 = vector.broadcast %get3A_93 : vector<1x128xf32> to vector<2000x128xf32>
    %add3A_95 = arith.addf %add3A_90, %add3A_94 : vector<2000x128xf32>
    %tanh3A = math.tanh %add3A_95 : vector<2000x128xf32>
    %sub3A = arith.constant 1.000000e+00 : f32
    %sub3A_96 = vector.broadcast %sub3A : f32 to vector<2000x128xf32>
    %sub3A_97 = arith.subf %sub3A_96, %logistic3A_73 : vector<2000x128xf32>
    %mul3A = arith.mulf %logistic3A_73, %tanh3A : vector<2000x128xf32>
    %add3A_98 = arith.addf %sub3A_97, %mul3A : vector<2000x128xf32>
    %get3A_99 = arith.constant 0 : index
    %get3A_100 = arith.constant 0 : index
    %get3A_101 = vector.load %arg17[%get3A_99, %get3A_100] : memref<128x64xf32, #tpu.memory_space<vmem>>, vector<128x64xf32>
    %dot_general3A_102 = arith.constant dense<0.000000e+00> : vector<2000x64xf32>
    %dot_general3A_103 = tpu.matmul %add3A_98, %get3A_101, %dot_general3A_102 {dimension_numbers = #tpu.dot_dimension_numbers<[1], [0], [0], [1], [0, 0, 1, 1], [], []>, transpose_lhs_hint = false} : vector<2000x128xf32>, vector<128x64xf32>, vector<2000x64xf32> -> vector<2000x64xf32>
    %get3A_104 = arith.constant 0 : index
    %get3A_105 = arith.constant 0 : index
    %get3A_106 = vector.load %arg18[%get3A_104, %get3A_105] : memref<1x64xf32, #tpu.memory_space<vmem>>, vector<1x64xf32>
    %add3A_107 = vector.broadcast %get3A_106 : vector<1x64xf32> to vector<2000x64xf32>
    %add3A_108 = arith.addf %dot_general3A_103, %add3A_107 : vector<2000x64xf32>
    %tanh3A_109 = math.tanh %add3A_108 : vector<2000x64xf32>
    %reduce_sum3A = arith.constant dense<0.000000e+00> : vector<64xf32>
    %reduce_sum3A_110 = vector.multi_reduction <add>, %tanh3A_109, %reduce_sum3A [0] : vector<2000x64xf32> to vector<64xf32>
    %broadcast_in_dim3A_111 = vector.shape_cast %reduce_sum3A_110 : vector<64xf32> to vector<1x64xf32>
    %add3A_112 = arith.addf %broadcast_in_dim3A_17, %broadcast_in_dim3A_111 : vector<1x64xf32>
    %get3A_113 = arith.constant 1 : index
    %get3A_114 = arith.constant 0 : index
    %get3A_115 = arith.constant 0 : index
    %get3A_116 = vector.load %arg5[%get3A_113, %get3A_114, %get3A_115] : memref<3x144x128xf32, #tpu.memory_space<vmem>>, vector<1x144x128xf32>
    %get3A_117 = vector.shape_cast %get3A_116 : vector<1x144x128xf32> to vector<144x128xf32>
    %dot_general3A_118 = arith.constant dense<0.000000e+00> : vector<2000x128xf32>
    %dot_general3A_119 = tpu.matmul %add3A, %get3A_117, %dot_general3A_118 {dimension_numbers = #tpu.dot_dimension_numbers<[1], [0], [0], [1], [0, 0, 1, 1], [], []>, transpose_lhs_hint = false} : vector<2000x144xf32>, vector<144x128xf32>, vector<2000x128xf32> -> vector<2000x128xf32>
    %get3A_120 = arith.constant 1 : index
    %get3A_121 = arith.constant 0 : index
    %get3A_122 = arith.constant 0 : index
    %get3A_123 = vector.load %arg6[%get3A_120, %get3A_121, %get3A_122] : memref<3x144x128xf32, #tpu.memory_space<vmem>>, vector<1x144x128xf32>
    %get3A_124 = vector.shape_cast %get3A_123 : vector<1x144x128xf32> to vector<144x128xf32>
    %dot_general3A_125 = arith.constant dense<0.000000e+00> : vector<2000x128xf32>
    %dot_general3A_126 = tpu.matmul %add3A_16, %get3A_124, %dot_general3A_125 {dimension_numbers = #tpu.dot_dimension_numbers<[1], [0], [0], [1], [0, 0, 1, 1], [], []>, transpose_lhs_hint = false} : vector<2000x144xf32>, vector<144x128xf32>, vector<2000x128xf32> -> vector<2000x128xf32>
    %get3A_127 = arith.constant 0 : index
    %get3A_128 = arith.constant 0 : index
    %get3A_129 = vector.load %arg7[%get3A_127, %get3A_128] : memref<128x128xf32, #tpu.memory_space<vmem>>, vector<128x128xf32>
    %dot_general3A_130 = arith.constant dense<0.000000e+00> : vector<2000x128xf32>
    %dot_general3A_131 = tpu.matmul %dot_general3A_119, %get3A_129, %dot_general3A_130 {dimension_numbers = #tpu.dot_dimension_numbers<[1], [0], [0], [1], [0, 0, 1, 1], [], []>, transpose_lhs_hint = false} : vector<2000x128xf32>, vector<128x128xf32>, vector<2000x128xf32> -> vector<2000x128xf32>
    %get3A_132 = arith.constant 0 : index
    %get3A_133 = arith.constant 0 : index
    %get3A_134 = vector.load %arg8[%get3A_132, %get3A_133] : memref<128x128xf32, #tpu.memory_space<vmem>>, vector<128x128xf32>
    %dot_general3A_135 = arith.constant dense<0.000000e+00> : vector<2000x128xf32>
    %dot_general3A_136 = tpu.matmul %dot_general3A_126, %get3A_134, %dot_general3A_135 {dimension_numbers = #tpu.dot_dimension_numbers<[1], [0], [0], [1], [0, 0, 1, 1], [], []>, transpose_lhs_hint = false} : vector<2000x128xf32>, vector<128x128xf32>, vector<2000x128xf32> -> vector<2000x128xf32>
    %add3A_137 = arith.addf %dot_general3A_131, %dot_general3A_136 : vector<2000x128xf32>
    %get3A_138 = arith.constant 0 : index
    %get3A_139 = arith.constant 0 : index
    %get3A_140 = vector.load %arg9[%get3A_138, %get3A_139] : memref<1x128xf32, #tpu.memory_space<vmem>>, vector<1x128xf32>
    %add3A_141 = vector.broadcast %get3A_140 : vector<1x128xf32> to vector<2000x128xf32>
    %add3A_142 = arith.addf %add3A_137, %add3A_141 : vector<2000x128xf32>
    %logistic3A_143 = arith.negf %add3A_142 : vector<2000x128xf32>
    %logistic3A_144 = math.exp %logistic3A_143 : vector<2000x128xf32>
    %logistic3A_145 = arith.constant 1.000000e+00 : f32
    %logistic3A_146 = vector.broadcast %logistic3A_145 : f32 to vector<2000x128xf32>
    %logistic3A_147 = arith.addf %logistic3A_146, %logistic3A_144 : vector<2000x128xf32>
    %logistic3A_148 = arith.divf %logistic3A_146, %logistic3A_147 : vector<2000x128xf32>
    %get3A_149 = arith.constant 0 : index
    %get3A_150 = arith.constant 0 : index
    %get3A_151 = vector.load %arg10[%get3A_149, %get3A_150] : memref<128x128xf32, #tpu.memory_space<vmem>>, vector<128x128xf32>
    %dot_general3A_152 = arith.constant dense<0.000000e+00> : vector<2000x128xf32>
    %dot_general3A_153 = tpu.matmul %dot_general3A_119, %get3A_151, %dot_general3A_152 {dimension_numbers = #tpu.dot_dimension_numbers<[1], [0], [0], [1], [0, 0, 1, 1], [], []>, transpose_lhs_hint = false} : vector<2000x128xf32>, vector<128x128xf32>, vector<2000x128xf32> -> vector<2000x128xf32>
    %get3A_154 = arith.constant 0 : index
    %get3A_155 = arith.constant 0 : index
    %get3A_156 = vector.load %arg11[%get3A_154, %get3A_155] : memref<128x128xf32, #tpu.memory_space<vmem>>, vector<128x128xf32>
    %dot_general3A_157 = arith.constant dense<0.000000e+00> : vector<2000x128xf32>
    %dot_general3A_158 = tpu.matmul %dot_general3A_126, %get3A_156, %dot_general3A_157 {dimension_numbers = #tpu.dot_dimension_numbers<[1], [0], [0], [1], [0, 0, 1, 1], [], []>, transpose_lhs_hint = false} : vector<2000x128xf32>, vector<128x128xf32>, vector<2000x128xf32> -> vector<2000x128xf32>
    %add3A_159 = arith.addf %dot_general3A_153, %dot_general3A_158 : vector<2000x128xf32>
    %get3A_160 = arith.constant 0 : index
    %get3A_161 = arith.constant 0 : index
    %get3A_162 = vector.load %arg12[%get3A_160, %get3A_161] : memref<1x128xf32, #tpu.memory_space<vmem>>, vector<1x128xf32>
    %add3A_163 = vector.broadcast %get3A_162 : vector<1x128xf32> to vector<2000x128xf32>
    %add3A_164 = arith.addf %add3A_159, %add3A_163 : vector<2000x128xf32>
    %logistic3A_165 = arith.negf %add3A_164 : vector<2000x128xf32>
    %logistic3A_166 = math.exp %logistic3A_165 : vector<2000x128xf32>
    %logistic3A_167 = arith.constant 1.000000e+00 : f32
    %logistic3A_168 = vector.broadcast %logistic3A_167 : f32 to vector<2000x128xf32>
    %logistic3A_169 = arith.addf %logistic3A_168, %logistic3A_166 : vector<2000x128xf32>
    %logistic3A_170 = arith.divf %logistic3A_168, %logistic3A_169 : vector<2000x128xf32>
    %get3A_171 = arith.constant 0 : index
    %get3A_172 = arith.constant 0 : index
    %get3A_173 = vector.load %arg13[%get3A_171, %get3A_172] : memref<128x128xf32, #tpu.memory_space<vmem>>, vector<128x128xf32>
    %dot_general3A_174 = arith.constant dense<0.000000e+00> : vector<2000x128xf32>
    %dot_general3A_175 = tpu.matmul %dot_general3A_119, %get3A_173, %dot_general3A_174 {dimension_numbers = #tpu.dot_dimension_numbers<[1], [0], [0], [1], [0, 0, 1, 1], [], []>, transpose_lhs_hint = false} : vector<2000x128xf32>, vector<128x128xf32>, vector<2000x128xf32> -> vector<2000x128xf32>
    %get3A_176 = arith.constant 0 : index
    %get3A_177 = arith.constant 0 : index
    %get3A_178 = vector.load %arg14[%get3A_176, %get3A_177] : memref<128x128xf32, #tpu.memory_space<vmem>>, vector<128x128xf32>
    %dot_general3A_179 = arith.constant dense<0.000000e+00> : vector<2000x128xf32>
    %dot_general3A_180 = tpu.matmul %dot_general3A_126, %get3A_178, %dot_general3A_179 {dimension_numbers = #tpu.dot_dimension_numbers<[1], [0], [0], [1], [0, 0, 1, 1], [], []>, transpose_lhs_hint = false} : vector<2000x128xf32>, vector<128x128xf32>, vector<2000x128xf32> -> vector<2000x128xf32>
    %add3A_181 = arith.addf %dot_general3A_175, %dot_general3A_180 : vector<2000x128xf32>
    %get3A_182 = arith.constant 0 : index
    %get3A_183 = arith.constant 0 : index
    %get3A_184 = vector.load %arg15[%get3A_182, %get3A_183] : memref<128x128xf32, #tpu.memory_space<vmem>>, vector<128x128xf32>
    %dot_general3A_185 = arith.constant dense<0.000000e+00> : vector<2000x128xf32>
    %dot_general3A_186 = tpu.matmul %logistic3A_148, %get3A_184, %dot_general3A_185 {dimension_numbers = #tpu.dot_dimension_numbers<[1], [0], [0], [1], [0, 0, 1, 1], [], []>, transpose_lhs_hint = false} : vector<2000x128xf32>, vector<128x128xf32>, vector<2000x128xf32> -> vector<2000x128xf32>
    %add3A_187 = arith.addf %add3A_181, %dot_general3A_186 : vector<2000x128xf32>
    %get3A_188 = arith.constant 0 : index
    %get3A_189 = arith.constant 0 : index
    %get3A_190 = vector.load %arg16[%get3A_188, %get3A_189] : memref<1x128xf32, #tpu.memory_space<vmem>>, vector<1x128xf32>
    %add3A_191 = vector.broadcast %get3A_190 : vector<1x128xf32> to vector<2000x128xf32>
    %add3A_192 = arith.addf %add3A_187, %add3A_191 : vector<2000x128xf32>
    %tanh3A_193 = math.tanh %add3A_192 : vector<2000x128xf32>
    %sub3A_194 = arith.constant 1.000000e+00 : f32
    %sub3A_195 = vector.broadcast %sub3A_194 : f32 to vector<2000x128xf32>
    %sub3A_196 = arith.subf %sub3A_195, %logistic3A_170 : vector<2000x128xf32>
    %mul3A_197 = arith.mulf %logistic3A_170, %tanh3A_193 : vector<2000x128xf32>
    %add3A_198 = arith.addf %sub3A_196, %mul3A_197 : vector<2000x128xf32>
    %get3A_199 = arith.constant 0 : index
    %get3A_200 = arith.constant 0 : index
    %get3A_201 = vector.load %arg17[%get3A_199, %get3A_200] : memref<128x64xf32, #tpu.memory_space<vmem>>, vector<128x64xf32>
    %dot_general3A_202 = arith.constant dense<0.000000e+00> : vector<2000x64xf32>
    %dot_general3A_203 = tpu.matmul %add3A_198, %get3A_201, %dot_general3A_202 {dimension_numbers = #tpu.dot_dimension_numbers<[1], [0], [0], [1], [0, 0, 1, 1], [], []>, transpose_lhs_hint = false} : vector<2000x128xf32>, vector<128x64xf32>, vector<2000x64xf32> -> vector<2000x64xf32>
    %get3A_204 = arith.constant 0 : index
    %get3A_205 = arith.constant 0 : index
    %get3A_206 = vector.load %arg18[%get3A_204, %get3A_205] : memref<1x64xf32, #tpu.memory_space<vmem>>, vector<1x64xf32>
    %add3A_207 = vector.broadcast %get3A_206 : vector<1x64xf32> to vector<2000x64xf32>
    %add3A_208 = arith.addf %dot_general3A_203, %add3A_207 : vector<2000x64xf32>
    %tanh3A_209 = math.tanh %add3A_208 : vector<2000x64xf32>
    %reduce_sum3A_210 = arith.constant dense<0.000000e+00> : vector<64xf32>
    %reduce_sum3A_211 = vector.multi_reduction <add>, %tanh3A_209, %reduce_sum3A_210 [0] : vector<2000x64xf32> to vector<64xf32>
    %broadcast_in_dim3A_212 = vector.shape_cast %reduce_sum3A_211 : vector<64xf32> to vector<1x64xf32>
    %add3A_213 = arith.addf %add3A_112, %broadcast_in_dim3A_212 : vector<1x64xf32>
    %get3A_214 = arith.constant 2 : index
    %get3A_215 = arith.constant 0 : index
    %get3A_216 = arith.constant 0 : index
    %get3A_217 = vector.load %arg5[%get3A_214, %get3A_215, %get3A_216] : memref<3x144x128xf32, #tpu.memory_space<vmem>>, vector<1x144x128xf32>
    %get3A_218 = vector.shape_cast %get3A_217 : vector<1x144x128xf32> to vector<144x128xf32>
    %dot_general3A_219 = arith.constant dense<0.000000e+00> : vector<2000x128xf32>
    %dot_general3A_220 = tpu.matmul %add3A, %get3A_218, %dot_general3A_219 {dimension_numbers = #tpu.dot_dimension_numbers<[1], [0], [0], [1], [0, 0, 1, 1], [], []>, transpose_lhs_hint = false} : vector<2000x144xf32>, vector<144x128xf32>, vector<2000x128xf32> -> vector<2000x128xf32>
    %get3A_221 = arith.constant 2 : index
    %get3A_222 = arith.constant 0 : index
    %get3A_223 = arith.constant 0 : index
    %get3A_224 = vector.load %arg6[%get3A_221, %get3A_222, %get3A_223] : memref<3x144x128xf32, #tpu.memory_space<vmem>>, vector<1x144x128xf32>
    %get3A_225 = vector.shape_cast %get3A_224 : vector<1x144x128xf32> to vector<144x128xf32>
    %dot_general3A_226 = arith.constant dense<0.000000e+00> : vector<2000x128xf32>
    %dot_general3A_227 = tpu.matmul %add3A_16, %get3A_225, %dot_general3A_226 {dimension_numbers = #tpu.dot_dimension_numbers<[1], [0], [0], [1], [0, 0, 1, 1], [], []>, transpose_lhs_hint = false} : vector<2000x144xf32>, vector<144x128xf32>, vector<2000x128xf32> -> vector<2000x128xf32>
    %get3A_228 = arith.constant 0 : index
    %get3A_229 = arith.constant 0 : index
    %get3A_230 = vector.load %arg7[%get3A_228, %get3A_229] : memref<128x128xf32, #tpu.memory_space<vmem>>, vector<128x128xf32>
    %dot_general3A_231 = arith.constant dense<0.000000e+00> : vector<2000x128xf32>
    %dot_general3A_232 = tpu.matmul %dot_general3A_220, %get3A_230, %dot_general3A_231 {dimension_numbers = #tpu.dot_dimension_numbers<[1], [0], [0], [1], [0, 0, 1, 1], [], []>, transpose_lhs_hint = false} : vector<2000x128xf32>, vector<128x128xf32>, vector<2000x128xf32> -> vector<2000x128xf32>
    %get3A_233 = arith.constant 0 : index
    %get3A_234 = arith.constant 0 : index
    %get3A_235 = vector.load %arg8[%get3A_233, %get3A_234] : memref<128x128xf32, #tpu.memory_space<vmem>>, vector<128x128xf32>
    %dot_general3A_236 = arith.constant dense<0.000000e+00> : vector<2000x128xf32>
    %dot_general3A_237 = tpu.matmul %dot_general3A_227, %get3A_235, %dot_general3A_236 {dimension_numbers = #tpu.dot_dimension_numbers<[1], [0], [0], [1], [0, 0, 1, 1], [], []>, transpose_lhs_hint = false} : vector<2000x128xf32>, vector<128x128xf32>, vector<2000x128xf32> -> vector<2000x128xf32>
    %add3A_238 = arith.addf %dot_general3A_232, %dot_general3A_237 : vector<2000x128xf32>
    %get3A_239 = arith.constant 0 : index
    %get3A_240 = arith.constant 0 : index
    %get3A_241 = vector.load %arg9[%get3A_239, %get3A_240] : memref<1x128xf32, #tpu.memory_space<vmem>>, vector<1x128xf32>
    %add3A_242 = vector.broadcast %get3A_241 : vector<1x128xf32> to vector<2000x128xf32>
    %add3A_243 = arith.addf %add3A_238, %add3A_242 : vector<2000x128xf32>
    %logistic3A_244 = arith.negf %add3A_243 : vector<2000x128xf32>
    %logistic3A_245 = math.exp %logistic3A_244 : vector<2000x128xf32>
    %logistic3A_246 = arith.constant 1.000000e+00 : f32
    %logistic3A_247 = vector.broadcast %logistic3A_246 : f32 to vector<2000x128xf32>
    %logistic3A_248 = arith.addf %logistic3A_247, %logistic3A_245 : vector<2000x128xf32>
    %logistic3A_249 = arith.divf %logistic3A_247, %logistic3A_248 : vector<2000x128xf32>
    %get3A_250 = arith.constant 0 : index
    %get3A_251 = arith.constant 0 : index
    %get3A_252 = vector.load %arg10[%get3A_250, %get3A_251] : memref<128x128xf32, #tpu.memory_space<vmem>>, vector<128x128xf32>
    %dot_general3A_253 = arith.constant dense<0.000000e+00> : vector<2000x128xf32>
    %dot_general3A_254 = tpu.matmul %dot_general3A_220, %get3A_252, %dot_general3A_253 {dimension_numbers = #tpu.dot_dimension_numbers<[1], [0], [0], [1], [0, 0, 1, 1], [], []>, transpose_lhs_hint = false} : vector<2000x128xf32>, vector<128x128xf32>, vector<2000x128xf32> -> vector<2000x128xf32>
    %get3A_255 = arith.constant 0 : index
    %get3A_256 = arith.constant 0 : index
    %get3A_257 = vector.load %arg11[%get3A_255, %get3A_256] : memref<128x128xf32, #tpu.memory_space<vmem>>, vector<128x128xf32>
    %dot_general3A_258 = arith.constant dense<0.000000e+00> : vector<2000x128xf32>
    %dot_general3A_259 = tpu.matmul %dot_general3A_227, %get3A_257, %dot_general3A_258 {dimension_numbers = #tpu.dot_dimension_numbers<[1], [0], [0], [1], [0, 0, 1, 1], [], []>, transpose_lhs_hint = false} : vector<2000x128xf32>, vector<128x128xf32>, vector<2000x128xf32> -> vector<2000x128xf32>
    %add3A_260 = arith.addf %dot_general3A_254, %dot_general3A_259 : vector<2000x128xf32>
    %get3A_261 = arith.constant 0 : index
    %get3A_262 = arith.constant 0 : index
    %get3A_263 = vector.load %arg12[%get3A_261, %get3A_262] : memref<1x128xf32, #tpu.memory_space<vmem>>, vector<1x128xf32>
    %add3A_264 = vector.broadcast %get3A_263 : vector<1x128xf32> to vector<2000x128xf32>
    %add3A_265 = arith.addf %add3A_260, %add3A_264 : vector<2000x128xf32>
    %logistic3A_266 = arith.negf %add3A_265 : vector<2000x128xf32>
    %logistic3A_267 = math.exp %logistic3A_266 : vector<2000x128xf32>
    %logistic3A_268 = arith.constant 1.000000e+00 : f32
    %logistic3A_269 = vector.broadcast %logistic3A_268 : f32 to vector<2000x128xf32>
    %logistic3A_270 = arith.addf %logistic3A_269, %logistic3A_267 : vector<2000x128xf32>
    %logistic3A_271 = arith.divf %logistic3A_269, %logistic3A_270 : vector<2000x128xf32>
    %get3A_272 = arith.constant 0 : index
    %get3A_273 = arith.constant 0 : index
    %get3A_274 = vector.load %arg13[%get3A_272, %get3A_273] : memref<128x128xf32, #tpu.memory_space<vmem>>, vector<128x128xf32>
    %dot_general3A_275 = arith.constant dense<0.000000e+00> : vector<2000x128xf32>
    %dot_general3A_276 = tpu.matmul %dot_general3A_220, %get3A_274, %dot_general3A_275 {dimension_numbers = #tpu.dot_dimension_numbers<[1], [0], [0], [1], [0, 0, 1, 1], [], []>, transpose_lhs_hint = false} : vector<2000x128xf32>, vector<128x128xf32>, vector<2000x128xf32> -> vector<2000x128xf32>
    %get3A_277 = arith.constant 0 : index
    %get3A_278 = arith.constant 0 : index
    %get3A_279 = vector.load %arg14[%get3A_277, %get3A_278] : memref<128x128xf32, #tpu.memory_space<vmem>>, vector<128x128xf32>
    %dot_general3A_280 = arith.constant dense<0.000000e+00> : vector<2000x128xf32>
    %dot_general3A_281 = tpu.matmul %dot_general3A_227, %get3A_279, %dot_general3A_280 {dimension_numbers = #tpu.dot_dimension_numbers<[1], [0], [0], [1], [0, 0, 1, 1], [], []>, transpose_lhs_hint = false} : vector<2000x128xf32>, vector<128x128xf32>, vector<2000x128xf32> -> vector<2000x128xf32>
    %add3A_282 = arith.addf %dot_general3A_276, %dot_general3A_281 : vector<2000x128xf32>
    %get3A_283 = arith.constant 0 : index
    %get3A_284 = arith.constant 0 : index
    %get3A_285 = vector.load %arg15[%get3A_283, %get3A_284] : memref<128x128xf32, #tpu.memory_space<vmem>>, vector<128x128xf32>
    %dot_general3A_286 = arith.constant dense<0.000000e+00> : vector<2000x128xf32>
    %dot_general3A_287 = tpu.matmul %logistic3A_249, %get3A_285, %dot_general3A_286 {dimension_numbers = #tpu.dot_dimension_numbers<[1], [0], [0], [1], [0, 0, 1, 1], [], []>, transpose_lhs_hint = false} : vector<2000x128xf32>, vector<128x128xf32>, vector<2000x128xf32> -> vector<2000x128xf32>
    %add3A_288 = arith.addf %add3A_282, %dot_general3A_287 : vector<2000x128xf32>
    %get3A_289 = arith.constant 0 : index
    %get3A_290 = arith.constant 0 : index
    %get3A_291 = vector.load %arg16[%get3A_289, %get3A_290] : memref<1x128xf32, #tpu.memory_space<vmem>>, vector<1x128xf32>
    %add3A_292 = vector.broadcast %get3A_291 : vector<1x128xf32> to vector<2000x128xf32>
    %add3A_293 = arith.addf %add3A_288, %add3A_292 : vector<2000x128xf32>
    %tanh3A_294 = math.tanh %add3A_293 : vector<2000x128xf32>
    %sub3A_295 = arith.constant 1.000000e+00 : f32
    %sub3A_296 = vector.broadcast %sub3A_295 : f32 to vector<2000x128xf32>
    %sub3A_297 = arith.subf %sub3A_296, %logistic3A_271 : vector<2000x128xf32>
    %mul3A_298 = arith.mulf %logistic3A_271, %tanh3A_294 : vector<2000x128xf32>
    %add3A_299 = arith.addf %sub3A_297, %mul3A_298 : vector<2000x128xf32>
    %get3A_300 = arith.constant 0 : index
    %get3A_301 = arith.constant 0 : index
    %get3A_302 = vector.load %arg17[%get3A_300, %get3A_301] : memref<128x64xf32, #tpu.memory_space<vmem>>, vector<128x64xf32>
    %dot_general3A_303 = arith.constant dense<0.000000e+00> : vector<2000x64xf32>
    %dot_general3A_304 = tpu.matmul %add3A_299, %get3A_302, %dot_general3A_303 {dimension_numbers = #tpu.dot_dimension_numbers<[1], [0], [0], [1], [0, 0, 1, 1], [], []>, transpose_lhs_hint = false} : vector<2000x128xf32>, vector<128x64xf32>, vector<2000x64xf32> -> vector<2000x64xf32>
    %get3A_305 = arith.constant 0 : index
    %get3A_306 = arith.constant 0 : index
    %get3A_307 = vector.load %arg18[%get3A_305, %get3A_306] : memref<1x64xf32, #tpu.memory_space<vmem>>, vector<1x64xf32>
    %add3A_308 = vector.broadcast %get3A_307 : vector<1x64xf32> to vector<2000x64xf32>
    %add3A_309 = arith.addf %dot_general3A_304, %add3A_308 : vector<2000x64xf32>
    %tanh3A_310 = math.tanh %add3A_309 : vector<2000x64xf32>
    %reduce_sum3A_311 = arith.constant dense<0.000000e+00> : vector<64xf32>
    %reduce_sum3A_312 = vector.multi_reduction <add>, %tanh3A_310, %reduce_sum3A_311 [0] : vector<2000x64xf32> to vector<64xf32>
    %broadcast_in_dim3A_313 = vector.shape_cast %reduce_sum3A_312 : vector<64xf32> to vector<1x64xf32>
    %add3A_314 = arith.addf %add3A_213, %broadcast_in_dim3A_313 : vector<1x64xf32>
    %eq3A = arith.constant 0 : i32
    %eq3A_315 = arith.cmpi eq, %arg0, %eq3A : i32
    %eq3A_316 = arith.constant 0 : i32
    %eq3A_317 = arith.cmpi eq, %arg1, %eq3A_316 : i32
    %and3A = arith.andi %eq3A_315, %eq3A_317 : i1
    %convert_element_type3A = arith.extui %and3A : i1 to i32
    %cond3A = arith.constant 0 : i32
    %cond3A_318 = arith.cmpi ne, %convert_element_type3A, %cond3A : i32
    scf.if %cond3A_318 {
      %broadcast_in_dim3A_330 = arith.constant 0.000000e+00 : f32
      %broadcast_in_dim3A_331 = vector.broadcast %broadcast_in_dim3A_330 : f32 to vector<8x64xf32>
      %swap3A_332 = arith.constant 0 : index
      %swap3A_333 = arith.constant 0 : index
      %swap3A_334 = vector.load %arg19[%swap3A_332, %swap3A_333] : memref<8x64xf32, #tpu.memory_space<vmem>>, vector<8x64xf32>
      tpu.vector_store %arg19[%swap3A_332, %swap3A_333], %broadcast_in_dim3A_331 {strides = array<i32>} : memref<8x64xf32, #tpu.memory_space<vmem>>, vector<8x64xf32>,
    } else {
    }
    %iota3A = tpu.iota {dimensions = array<i32: 0>} : vector<8x64xi32>
    %get3A_319 = arith.constant 0 : index
    %get3A_320 = arith.constant 0 : index
    %get3A_321 = vector.load %arg19[%get3A_319, %get3A_320] : memref<8x64xf32, #tpu.memory_space<vmem>>, vector<8x64xf32>
    %eq3A_322 = vector.broadcast %arg0 : i32 to vector<8x64xi32>
    %eq3A_323 = arith.cmpi eq, %iota3A, %eq3A_322 : vector<8x64xi32>
    %broadcast_in_dim3A_324 = vector.shape_cast %add3A_314 : vector<1x64xf32> to vector<1x64xf32>
    %broadcast_in_dim3A_325 = vector.broadcast %broadcast_in_dim3A_324 : vector<1x64xf32> to vector<8x64xf32>
    %jit3A = arith.constant 0.000000e+00 : f32
    %broadcast_in_dim3A_326 = vector.broadcast %jit3A : f32 to vector<8x64xf32>
    %select_n3A = arith.select %eq3A_323, %broadcast_in_dim3A_325, %broadcast_in_dim3A_326 : vector<8x64xi1>, vector<8x64xf32>
    %add3A_327 = arith.addf %get3A_321, %select_n3A : vector<8x64xf32>
    %swap3A = arith.constant 0 : index
    %swap3A_328 = arith.constant 0 : index
    %swap3A_329 = vector.load %arg19[%swap3A, %swap3A_328] : memref<8x64xf32, #tpu.memory_space<vmem>>, vector<8x64xf32>
    tpu.vector_store %arg19[%swap3A, %swap3A_328], %add3A_327 {strides = array<i32>} : memref<8x64xf32, #tpu.memory_space<vmem>>, vector<8x64xf32>,
    return
  }
  func.func @transform_0(%arg0: i32, %arg1: i32) -> (i32, i32, i32) {
    %c0_i32 = arith.constant 0 : i32
    %c0_i32_0 = arith.constant 0 : i32
    return %arg0, %arg1, %c0_i32 : i32, i32, i32
  }
  func.func @transform_1(%arg0: i32, %arg1: i32) -> (i32, i32, i32, i32) {
    %c0_i32 = arith.constant 0 : i32
    %c0_i32_0 = arith.constant 0 : i32
    %c0_i32_1 = arith.constant 0 : i32
    return %c0_i32, %arg0, %arg1, %c0_i32_0 : i32, i32, i32, i32
  }
  func.func @transform_2(%arg0: i32, %arg1: i32) -> (i32, i32, i32, i32) {
    %c1_i32 = arith.constant 1 : i32
    %c0_i32 = arith.constant 0 : i32
    %c0_i32_0 = arith.constant 0 : i32
    return %c1_i32, %arg0, %arg1, %c0_i32 : i32, i32, i32, i32
  }
  func.func @transform_3(%arg0: i32, %arg1: i32) -> (i32, i32, i32) {
    %c0_i32 = arith.constant 0 : i32
    %c0_i32_0 = arith.constant 0 : i32
    %c0_i32_1 = arith.constant 0 : i32
    %c0_i32_2 = arith.constant 0 : i32
    return %c0_i32, %c0_i32_0, %c0_i32_1 : i32, i32, i32
  }
  func.func @transform_4(%arg0: i32, %arg1: i32) -> (i32, i32, i32) {
    %c0_i32 = arith.constant 0 : i32
    %c0_i32_0 = arith.constant 0 : i32
    %c0_i32_1 = arith.constant 0 : i32
    %c0_i32_2 = arith.constant 0 : i32
    return %c0_i32, %c0_i32_0, %c0_i32_1 : i32, i32, i32
  }
  func.func @transform_5(%arg0: i32, %arg1: i32) -> (i32, i32) {
    %c0_i32 = arith.constant 0 : i32
    %c0_i32_0 = arith.constant 0 : i32
    %c0_i32_1 = arith.constant 0 : i32
    return %c0_i32, %c0_i32_0 : i32, i32
  }
  func.func @transform_6(%arg0: i32, %arg1: i32) -> (i32, i32) {
    %c0_i32 = arith.constant 0 : i32
    %c0_i32_0 = arith.constant 0 : i32
    %c0_i32_1 = arith.constant 0 : i32
    return %c0_i32, %c0_i32_0 : i32, i32
  }
  func.func @transform_7(%arg0: i32, %arg1: i32) -> (i32, i32) {
    %c0_i32 = arith.constant 0 : i32
    %c0_i32_0 = arith.constant 0 : i32
    %c0_i32_1 = arith.constant 0 : i32
    return %c0_i32, %c0_i32_0 : i32, i32
  }
  func.func @transform_8(%arg0: i32, %arg1: i32) -> (i32, i32) {
    %c0_i32 = arith.constant 0 : i32
    %c0_i32_0 = arith.constant 0 : i32
    %c0_i32_1 = arith.constant 0 : i32
    return %c0_i32, %c0_i32_0 : i32, i32
  }
  func.func @transform_9(%arg0: i32, %arg1: i32) -> (i32, i32) {
    %c0_i32 = arith.constant 0 : i32
    %c0_i32_0 = arith.constant 0 : i32
    %c0_i32_1 = arith.constant 0 : i32
    return %c0_i32, %c0_i32_0 : i32, i32
  }
  func.func @transform_10(%arg0: i32, %arg1: i32) -> (i32, i32) {
    %c0_i32 = arith.constant 0 : i32
    %c0_i32_0 = arith.constant 0 : i32
    %c0_i32_1 = arith.constant 0 : i32
    return %c0_i32, %c0_i32_0 : i32, i32
  }
  func.func @transform_11(%arg0: i32, %arg1: i32) -> (i32, i32) {
    %c0_i32 = arith.constant 0 : i32
    %c0_i32_0 = arith.constant 0 : i32
    %c0_i32_1 = arith.constant 0 : i32
    return %c0_i32, %c0_i32_0 : i32, i32
  }
  func.func @transform_12(%arg0: i32, %arg1: i32) -> (i32, i32) {
    %c0_i32 = arith.constant 0 : i32
    %c0_i32_0 = arith.constant 0 : i32
    %c0_i32_1 = arith.constant 0 : i32
    return %c0_i32, %c0_i32_0 : i32, i32
  }
  func.func @transform_13(%arg0: i32, %arg1: i32) -> (i32, i32) {
    %c0_i32 = arith.constant 0 : i32
    %c0_i32_0 = arith.constant 0 : i32
    %c0_i32_1 = arith.constant 0 : i32
    return %c0_i32, %c0_i32_0 : i32, i32
  }
  func.func @transform_14(%arg0: i32, %arg1: i32) -> (i32, i32) {
    %c0_i32 = arith.constant 0 : i32
    %c0_i32_0 = arith.constant 0 : i32
    %c0_i32_1 = arith.constant 0 : i32
    return %c0_i32, %c0_i32_0 : i32, i32
  }
  func.func @transform_15(%arg0: i32, %arg1: i32) -> (i32, i32) {
    %c0_i32 = arith.constant 0 : i32
    %c0_i32_0 = arith.constant 0 : i32
    %c0_i32_1 = arith.constant 0 : i32
    return %c0_i32, %c0_i32_0 : i32, i32
  }
  func.func @transform_16(%arg0: i32, %arg1: i32) -> (i32, i32) {
    %c0_i32 = arith.constant 0 : i32
    %c0_i32_0 = arith.constant 0 : i32
    %c0_i32_1 = arith.constant 0 : i32
    return %c0_i32, %c0_i32_0 : i32, i32
  }
  func.func @transform_17(%arg0: i32, %arg1: i32) -> (i32, i32) {
    %c0_i32 = arith.constant 0 : i32
    %c0_i32_0 = arith.constant 0 : i32
    %c0_i32_1 = arith.constant 0 : i32
    return %c0_i32, %c0_i32_0 : i32, i32
  }
}

</mosaic_0001>

<sc_bundles>
// kernel: kernel.4.cloned.1.call-start
scs
__scs_entry_jumppad:
0x0: {  	(pc) =	sbr.rel $0x88, $3  }
0x1: {  	(tag) =	ssettag $0x0;
	lr =	simm.s32 $0x1  }
0x2: {  	[smem:$0x3F93] =	sst lr;
	_ =	strace $0xD0000000  }
0x3: {  	_ = 	snop  }
0x4: {  	_ = 	snop  }
0x5: {  	_ = 	snop  }
0x6: {  	_ = 	snop  }
0x7: {  	_ = 	snop  }
__scs_overlays_trampoline_lowered:
0x8: {  	[smem:$0x3FA2] =	sst s0  }
0x9: {  	[smem:$0x3FA3] =	sst s1  }
0xa: {  	[smem:$0x3FA4] =	sst s2  }
0xb: {  	[smem:$0x3FA5] =	sst s3  }
0xc: {  	[smem:$0x3FA6] =	sst s4  }
0xd: {  	[smem:$0x3FA7] =	sst s5  }
0xe: {  	[smem:$0x3FA8] =	sst s6  }
0xf: {  	[smem:$0x3FA9] =	sst s7  }
0x10: {  	[smem:$0x3FAA] =	sst s8  }
0x11: {  	[smem:$0x3FAB] =	sst s9;
	s0 =	simm.s32 @!p0 $0x0  }
0x12: {  	s1 =	sld [smem:$0x3F91];
	s0 =	simm.s32 @p0 $0x1  }
0x13: {  	[smem:$0x3FAC] =	sst s0;
	s0 =	simm.s32 @!p1 $0x0  }
0x14: {  	s2 =	sld [smem:$0x3F90];
	s0 =	simm.s32 @p1 $0x1  }
0x15: {  	[smem:$0x3FAD] =	sst s0;
	s0 =	simm.s32 @!p2 $0x0  }
0x16: {  	s3 =	sld [smem:$0x3FDB];
	s0 =	simm.s32 @p2 $0x1  }
0x17: {  	s4 =	simm.s32 $0x1BF5;
	[smem:$0x3FAF] =	sst s0  }
0x18: {  	s0 =	sld [smem:$0x3F92];
	_ =	swait.ge [sflag:s4], $0x0  }
0x19: {  	s7 =	sld [smem:$0x3F93]  }
0x1a: {  	s8 =	sadd.s32 $0xFFFFE003, lr  }
0x1b: {  	s9 =	sadd.s32 $0xFFFFFEF7, lr;
	s5 =	simm.s32 $0xFFFFFFFF;
	p2 =	slt.u32 s8, $0xFFFFF086  }
0x1c: {  	p1 =	slt.u32 s9, $0xF7A;
	s5 =	simm.s32 @!p2 $0x0  }
0x1d: {  	s5 =	simm.s32 @p1 $0x1;
	p0 =	seq.s32 s7, s2  }
0x1e: {  	s7 =	smul.u32 @!p0 $0xF7A, s2;
	p2 =	seq.s32 @!p0 s5, $0x0  }
0x1f: {  	s9 =	smul.u32 $0xF7A, s1;
	s8 =	simm.s32 @!p0 $0x1BF5;
	p2 =	por !p2, p0  }
0x20: {  	[sflag:s8] =	ssyncset.s32 @!p0 $0xFFFFF086;
	s6 =	sadd.s32 @!p0 s3, s7;
	s7 =	simm.s32 @!p0 $0x108  }
0x21: {  	s3 =	sadd.s32 s3, s9;
	s6 =	sadd.s32 @!p0 $0x88, s6;
	s7 =	simm.s32 @p2 $0x1082  }
0x22: {  	[simem:s7], [sflag:s8] =	dma.local @!p0 [hbm:s6], $0xF7A  }
0x23: {  	s9 =	sor.u32 $0xD0000000, s2;
	s6 =	simm.s32 $0x108;
	_ =	swait.ge @!p0 [sflag:s8], $0x0  }
0x24: {  	s3 =	sadd.s32 $0x88, s3;
	s6 =	simm.s32 @!p1 $0x1082;
	[sflag:s4] =	ssyncset.s32 $0xFFFFF086  }
0x25: {  	[simem:s6], [sflag:s4] =	dma.local [hbm:s3], $0xF7A  }
0x26: {  	[smem:$0x3F93] =	sst s1;
	(tag) =	ssettag s2;
	_ =	strace s9  }
0x27: {  	s1 =	sld [smem:$0x3FA3]  }
0x28: {  	s2 =	sld [smem:$0x3FA4]  }
0x29: {  	s4 =	sld [smem:$0x3FA6]  }
0x2a: {  	p0 =	seq.s32 s5, $0x0;
	s5 =	sld [smem:$0x3FA7]  }
0x2b: {  	s6 =	sld [smem:$0x3FA8]  }
0x2c: {  	s7 =	sld [smem:$0x3FA9]  }
0x2d: {  	s3 =	simm.s32 $0x108;
	s8 =	sld [smem:$0x3FAA]  }
0x2e: {  	s3 =	simm.s32 @!p0 $0x1082;
	s9 =	sld [smem:$0x3FAB]  }
0x2f: {  	lr =	sadd.s32 s0, s3;
	s0 =	sld [smem:$0x3FA2]  }
0x30: {  	s3 =	sld [smem:$0x3FA5]  }
0x31: {  	[smem:$0x3FAE] =	sst s10  }
0x32: {  	s10 =	sld [smem:$0x3FAC];
	_ =	sdelay $0x3  }
0x33: {  	p0 =	seq.s32 s10, $0x1;
	s10 =	sld [smem:$0x3FAE];
	_ =	sdelay $0x3  }
0x34: {  	[smem:$0x3FAE] =	sst s10  }
0x35: {  	s10 =	sld [smem:$0x3FAD];
	_ =	sdelay $0x3  }
0x36: {  	p1 =	seq.s32 s10, $0x1;
	s10 =	sld [smem:$0x3FAE];
	_ =	sdelay $0x3  }
0x37: {  	[smem:$0x3FAE] =	sst s10  }
0x38: {  	s10 =	sld [smem:$0x3FAF]  }
0x39: {  	_ = 	snop;
	(pc) =	sbr.ind lr, $3  }
0x3a: {  	_ = 	snop  }
0x3b: {  	_ = 	snop  }
0x3c: {  	p2 =	seq.s32 s10, $0x1;
	s10 =	sld [smem:$0x3FAE]  }
0x3d: {  	_ =	shalt  }
0x3e: {  	_ =	shalt  }
0x3f: {  	_ =	shalt  }
0x40: {  	_ =	shalt  }
0x41: {  	_ =	shalt  }
0x42: {  	_ =	shalt  }
0x43: {  	_ =	shalt  }
0x44: {  	_ =	shalt  }
0x45: {  	_ =	shalt  }
0x46: {  	_ =	shalt  }
0x47: {  	_ =	shalt  }
0x48: {  	_ =	shalt  }
0x49: {  	_ =	shalt  }
0x4a: {  	_ =	shalt  }
0x4b: {  	_ =	shalt  }
0x4c: {  	_ =	shalt  }
0x4d: {  	_ =	shalt  }
0x4e: {  	_ =	shalt  }
0x4f: {  	_ =	shalt  }
0x50: {  	_ =	shalt  }
0x51: {  	_ =	shalt  }
0x52: {  	_ =	shalt  }
0x53: {  	_ =	shalt  }
0x54: {  	_ =	shalt  }
0x55: {  	_ =	shalt  }
0x56: {  	_ =	shalt  }
0x57: {  	_ =	shalt  }
0x58: {  	_ =	shalt  }
0x59: {  	_ =	shalt  }
0x5a: {  	_ =	shalt  }
0x5b: {  	_ =	shalt  }
0x5c: {  	_ =	shalt  }
0x5d: {  	_ =	shalt  }
0x5e: {  	_ =	shalt  }
0x5f: {  	_ =	shalt  }
0x60: {  	_ =	shalt  }
0x61: {  	_ =	shalt  }
0x62: {  	_ =	shalt  }
0x63: {  	_ =	shalt  }
0x64: {  	_ =	shalt  }
0x65: {  	_ =	shalt  }
0x66: {  	_ =	shalt  }
0x67: {  	_ =	shalt  }
0x68: {  	_ =	shalt  }
0x69: {  	_ =	shalt  }
0x6a: {  	_ =	shalt  }
0x6b: {  	_ =	shalt  }
0x6c: {  	_ =	shalt  }
0x6d: {  	_ =	shalt  }
0x6e: {  	_ =	shalt  }
0x6f: {  	_ =	shalt  }
0x70: {  	_ =	shalt  }
0x71: {  	_ =	shalt  }
0x72: {  	_ =	shalt  }
0x73: {  	_ =	shalt  }
0x74: {  	_ =	shalt  }
0x75: {  	_ =	shalt  }
0x76: {  	_ =	shalt  }
0x77: {  	_ =	shalt  }
0x78: {  	_ =	shalt  }
0x79: {  	_ =	shalt  }
0x7a: {  	_ =	shalt  }
0x7b: {  	_ =	shalt  }
0x7c: {  	_ =	shalt  }
0x7d: {  	_ =	shalt  }
0x7e: {  	_ =	shalt  }
0x7f: {  	_ =	shalt  }
0x80: {  	_ =	shalt  }
0x81: {  	_ =	shalt  }
0x82: {  	_ =	shalt  }
0x83: {  	_ =	shalt  }
0x84: {  	_ =	shalt  }
0x85: {  	_ =	shalt  }
0x86: {  	_ =	shalt  }
0x87: {  	_ =	shalt  }
.Lfunc_end0:
.L_simem_size_0:
called_computation_lowered:
.L_overlay_start_0:
0x88: {  	s2 =	sld [smem:$0x3FD9]  }
0x89: {  	s3 =	sld [smem:$0x3FFE];
	_ =	sdelay $0x1  }
0x8a: {  	s1 =	srdreg.scid  }
0x8b: {  	s0 =	sand.u32 $0x1, s1  }
0x8c: {  	s16 =	sshll.u32 s0, $0xA;
	s2 =	sadd.s32 s3, s2  }
0x8d: {  	s2 =	sadd.s32 s2, s16  }
0x8e: {  	[smem:$0x3FBA] =	sst s2  }
0x8f: {  	_ = 	snop  }
0x90: {  	(tm) =	ssettm $0x1  }
0x91: {  	s17 =	sld [smem:$0x3FFB];
	_ =	sdelay $0x3  }
0x92: {  	_ =	strace s17  }
0x93: {  	s2 =	sld [smem:$0x3FFC];
	_ =	sdelay $0x3  }
0x94: {  	_ =	strace s2  }
0x95: {  	s2 =	sld [smem:$0x3FFD];
	_ =	sdelay $0x3  }
0x96: {  	_ =	strace s2  }
0x97: {  	_ =	strace $0x8FFFFFFF  }
0x98: {  	s18 =	sld [smem:$0x3FDB];
	_ =	sdelay $0x1  }
0x99: {  	s19 =	simm.s32 $_scs_section_size  }
0x9a: {  	s4 =	simm.s32 $_size__tile_overlayer_lowered;
	s5 =	simm.s32 $_tile_overlayer_lowered  }
0x9b: {  	s22 =	simm.s32 $0x1BFF;
	s21 =	sshll.u32 s5, $0x1;
	s2 =	sadd.s32 s19, s18  }
0x9c: {  	s6 =	simm.s32 $0x0;
	s20 =	sshll.u32 s4, $0x1;
	s4 =	sadd.s32 s21, s2  }
0x9d: {  	[timem:s6], [sflag:s22] =	dma.local [hbm:s4], s20  }
0x9e: {  	_ =	swait.ge [sflag:s22], s20  }
0x9f: {  	s3 =	ssub.s32 $0x0, s20;
	[sflag:s22] =	ssyncset.done $0x0  }
0xa0: {  	[sflag:s22] =	ssyncadd.s32 s3;
	_ =	sdelay $0x1  }
0xa1: {  	s23 =	simm.s32 $0x1B8B  }
0xa2: {  	_ =	swait.ge [sflag:s23], $0x1  }
0xa3: {  	[sflag:s23] =	ssyncset.done $0x0  }
0xa4: {  	s25 =	simm.s32 $0x1B8E;
	s24 =	sld [smem:$0x3FFE];
	[sflag:s23] =	ssyncadd.s32 $0xFFFFFFFF  }
0xa5: {  	s26 =	simm.s32 $execute0_lowered;
	[smem:$0x3FD2] =	sst s25  }
0xa6: {  	s4 =	sshll.u32 s26, $0x1;
	_ =	strace $0x80000046;
	[dreg:$0x1] =	wrdreg $0xFFFFFFFF  }
0xa7: {  	s28 =	simm.s32 $_size_execute0_lowered;
	s2 =	sadd.s32 s2, s4;
	[dreg:$0x0] =	wrdreg $0x0  }
0xa8: {  	s4 =	sshll.u32 s28, $0x1;
	[dreg:$0x2] =	wrdreg s2  }
0xa9: {  	[dreg:$0x3] =	wrdreg s4  }
0xaa: {  	[dreg:$0x4] =	wrdreg $0xC0  }
0xab: {  	_ =	task [dreg:s6], $0x5FFFF  }
0xac: {  	[dreg:$0x1] =	wrdreg $0xFFFFFFFF  }
0xad: {  	[dreg:$0x0] =	wrdreg $0x60  }
0xae: {  	[dreg:$0x2] =	wrdreg s24  }
0xaf: {  	[dreg:$0x3] =	wrdreg $0x98000  }
0xb0: {  	[dreg:$0x4] =	wrdreg $0x9  }
0xb1: {  	_ =	task.clear_ibuf [dreg:s6], $0x5FFFF;
	_ =	strace $0x90000046  }
0xb2: {  	s29 =	simm.s32 $0x9;
	_ =	strace $0x80000048  }
0xb3: {  	_ =	swait.ge [sflag:s29], $0x1  }
0xb4: {  	[sflag:s29] =	ssyncadd.s32 $0xFFFFFFFF  }
0xb5: {  	_ =	strace $0x90000048  }
0xb6: {  	_ =	sfence  }
0xb7: {  	s30 =	sld [smem:$0x0];
	_ =	sdelay $0x2  }
0xb8: {  	s31 =	sshll.u32 s1, $0xD;
	s1 =	sshrl.u32 s1, $0x2  }
0xb9: {  	s3 =	sand.u32 $0x4000, s31;
	s1 =	sadd.s32 s1, s30  }
0xba: {  	s0 =	sor.u32 s3, s0;
	s1 =	sshll.u32 s1, $0x11  }
0xbb: {  	s0 =	sor.u32 s1, s0  }
0xbc: {  	s0 =	sadd.s32 $0x8F2B, s0  }
0xbd: {  	[sflag:s0] =	ssyncadd.remote.s32 $0x1  }
0xbe: {  	_ =	sfence.sel $0xFFFF  }
0xbf: {  	[dreg:$0x0] =	wrdreg $0xFFFFFFFF;
	(pc) =	sbr.abs _section_cstart, $3  }
0xc0: {  	[dreg:$0x1] =	wrdreg $0xFFFFFFFF  }
0xc1: {  	_ =	task.clear_ibuf [dreg:s6], $0x2FFFF;
	_ =	strace $0x9FFFFFFF  }
0xc2: {  	(tm) =	ssettm $0x7FFFFFFF  }
0xc3: {  	_ =	shalt  }
tec
execute0_lowered:
.L_overlay_start_1:
0x0: {  	(tag) =	ssettag $0x1  }
0x1: {  	s7 =	rddreg [dreg:$0x0]  }
0x2: {  	s1 =	rddreg [dreg:$0x1]  }
0x3: {  	s0 =	rddreg [dreg:$0x2]  }
0x4: {  	s2 =	simm.s32 $0x0;
	s3 =	srdreg.scid;
	s4 =	sadd.s32 $0x274E00, s7  }
0x5: {  	s9 =	sand.u32 $0x1, s3;
	s5 =	sadd.s32 $0x13C400, s7;
	s3 =	stileid.u32  }
0x6: {  	s21 =	simm.s32 $0x1;
	s6 =	sadd.s32 $0x18C400, s7;
	s11 =	smul.u32 $0x12000, s3  }
0x7: {  	[smem:$0x7FF] =	sst s2;
	s7 =	sadd.s32 $0x324C00, s7;
	s28 =	smul.u32 $0x140000, s9  }
0x8: {  	s19 =	sadd.s32 $0x15F000, s1;
	_ =	strace $0x80000047;
	s13 =	smul.u32 $0x5000, s3  }
0x9: {  	s8 =	ssub.s32 $0x2, s9;
	s30 =	sshll.u32 s3, $0x6;
	s31 =	smul.u32 $0x57E400, s9  }
0xa: {  	s17 =	smul.u32 $0x15F90, s3;
	p0 =	sgt.u32 s3, $0xD;
	s10 =	sshrl.u32 s8, $0x1  }
0xb: {  	p1 =	sne.s32 @p0 s3, $0xF;
	s12 =	ssub.s32 s8, s10;
	s29 =	sshrl.u32 s11, $0x2  }
0xc: {  	s8 =	sor.u32 $0x1C02, s30;
	s9 =	sadd.s32 s28, s13;
	s10 =	sadd.s32 s31, s17  }
0xd: {  	s22 =	sadd.s32 s17, s1;
	s13 =	simm.s32 $0x2;
	p1 =	por p1, !p0  }
0xe: {  	s14 =	sadd.s32 s29, s1;
	s11 =	smax.u32 s12, $0x1;
	s17 =	sshrl.u32 @!p1 s19, $0x3  }
0xf: {  	s19 =	simm.s32 $0x80;
	s22 =	sshrl.u32 s22, $0x3;
	s15 =	sadd.s32 $0x48000, s14  }
0x10: {  	s16 =	sadd.s32 $0x90000, s14;
	s18 =	sadd.s32 $0xD8000, s14;
	s20 =	sadd.s32 $0x120000, s14  }
0x11: {  	s12 =	sshrl.u32 s14, $0x3;
	s14 =	sshrl.u32 s15, $0x3;
	s15 =	sshrl.u32 s16, $0x3  }
0x12: {  	s16 =	sshrl.u32 s18, $0x3;
	s18 =	sshrl.u32 @!p0 s20, $0x3;
	s20 =	simm.s32 $0x5000  }
.LBB2_1:
0x13: {  	s23 =	simm.s32 $0x0  }
.LBB2_2:
0x14: {  	[spmem:s12], [sflag:s8] =	dma.local [hbm:s6], $0x900  }
0x15: {  	_ =	swait.ge [sflag:s13], $0x900  }
0x16: {  	[sflag:s13] =	ssyncset.done $0x0  }
0x17: {  	[sflag:s13] =	ssyncadd.s32 $0xFFFFF700  }
0x18: {  	[spmem:s14], [sflag:s8] =	dma.local [hbm:s6], $0x900  }
0x19: {  	_ =	swait.ge [sflag:s13], $0x900  }
0x1a: {  	[sflag:s13] =	ssyncset.done $0x0  }
0x1b: {  	[sflag:s13] =	ssyncadd.s32 $0xFFFFF700  }
0x1c: {  	[spmem:s15], [sflag:s8] =	dma.local [hbm:s6], $0x900  }
0x1d: {  	_ =	swait.ge [sflag:s13], $0x900  }
0x1e: {  	[sflag:s13] =	ssyncset.done $0x0  }
0x1f: {  	[sflag:s13] =	ssyncadd.s32 $0xFFFFF700  }
0x20: {  	[spmem:s16], [sflag:s8] =	dma.local [hbm:s6], $0x900  }
0x21: {  	_ =	swait.ge [sflag:s13], $0x900  }
0x22: {  	[sflag:s13] =	ssyncset.done $0x0  }
0x23: {  	s24 =	simm.s32 @!p1 $0x2;
	[sflag:s13] =	ssyncadd.s32 $0xFFFFF700  }
0x24: {  	[spmem:s17], [sflag:s8] =	dma.local @!p1 [hbm:s6], $0x120  }
0x25: {  	_ =	swait.ge @!p1 [sflag:s24], $0x120  }
0x26: {  	[sflag:s24] =	ssyncset.done @!p1 $0x0  }
0x27: {  	s25 =	smul.u32 $0x50000, s23;
	[sflag:s24] =	ssyncadd.s32 @!p1 $0xFFFFFEE0;
	s24 =	simm.s32 @!p0 $0x2  }
0x28: {  	[spmem:s18], [sflag:s8] =	dma.local @!p0 [hbm:s6], $0x900  }
0x29: {  	_ =	swait.ge @!p0 [sflag:s24], $0x900  }
0x2a: {  	s25 =	sadd.s32 s25, s9;
	[sflag:s24] =	ssyncset.done @!p0 $0x0  }
0x2b: {  	s25 =	sshrl.u32 s25, $0x3;
	[sflag:s24] =	ssyncadd.s32 @!p0 $0xFFFFF700  }
0x2c: {  	s26 =	simm.s32 $0x0;
	s24 =	sadd.s32 s5, s25;
	[bflag:$0x0] =	sbarrier.arrive $0xFFFF  }
0x2d: {  	[tilespmem:s26], [sflag:$0x2] =	stream.linear.gather [hbm4b:s24+s26], $0x5000, $0x38;
	[tilespmem:$0x1F790] =	vst v63  }
0x2e: {  	_ =	swait.ge [sflag:s13], $0x5000  }
0x2f: {  	[sflag:s13] =	ssyncset.done $0x0  }
0x30: {  	s29 =	simm.s32 $0x0;
	[sflag:s13] =	ssyncadd.s32 $0xFFFFB000  }
0x31: {  	[tilespmem:s20], [sflag:$0x1] =	stream.indirect.gather [hbm4b:s4+s19], $0x90, s29, s19, $0xb8;
	[tilespmem:$0x1F790] =	vst v63  }
0x32: {  	_ =	swait.ge [sflag:s21], $0x4800  }
0x33: {  	[sflag:s21] =	ssyncset.done $0x0  }
0x34: {  	s30 =	simm.s32 $0x80;
	[sflag:s21] =	ssyncadd.s32 $0xFFFFB800  }
0x35: {  	[spmem:s1] =	stream.indirect.scatter.add.f32 [tilespmem:s20], [sflag:$0x2], $0x90, s30, s19, $0xb8;
	[tilespmem:$0x1F790] =	vst v63  }
0x36: {  	_ =	swait.ge [sflag:s13], $0x4800  }
0x37: {  	[sflag:s13] =	ssyncset.done $0x0  }
0x38: {  	s31 =	simm.s32 $0x100;
	[sflag:s13] =	ssyncadd.s32 $0xFFFFB800  }
0x39: {  	[tilespmem:s20], [sflag:$0x1] =	stream.indirect.gather [hbm4b:s4+s19], $0x90, s31, s19, $0xb8;
	[tilespmem:$0x1F790] =	vst v63  }
0x3a: {  	_ =	swait.ge [sflag:s21], $0x4800  }
0x3b: {  	[sflag:s21] =	ssyncset.done $0x0  }
0x3c: {  	s25 =	simm.s32 $0x180;
	[sflag:s21] =	ssyncadd.s32 $0xFFFFB800  }
0x3d: {  	[spmem:s1] =	stream.indirect.scatter.add.f32 [tilespmem:s20], [sflag:$0x2], $0x90, s25, s19, $0xb8;
	[tilespmem:$0x1F790] =	vst v63  }
0x3e: {  	_ =	swait.ge [sflag:s13], $0x4800  }
0x3f: {  	[sflag:s13] =	ssyncset.done $0x0  }
0x40: {  	s26 =	simm.s32 $0x200;
	[sflag:s13] =	ssyncadd.s32 $0xFFFFB800  }
0x41: {  	[tilespmem:s20], [sflag:$0x1] =	stream.indirect.gather [hbm4b:s4+s19], $0x90, s26, s19, $0xb8;
	[tilespmem:$0x1F790] =	vst v63  }
0x42: {  	_ =	swait.ge [sflag:s21], $0x4800  }
0x43: {  	[sflag:s21] =	ssyncset.done $0x0  }
0x44: {  	s29 =	simm.s32 $0x280;
	[sflag:s21] =	ssyncadd.s32 $0xFFFFB800  }
0x45: {  	[spmem:s1] =	stream.indirect.scatter.add.f32 [tilespmem:s20], [sflag:$0x2], $0x90, s29, s19, $0xb8;
	[tilespmem:$0x1F790] =	vst v63  }
0x46: {  	_ =	swait.ge [sflag:s13], $0x4800  }
0x47: {  	[sflag:s13] =	ssyncset.done $0x0  }
0x48: {  	s30 =	simm.s32 $0x300;
	[sflag:s13] =	ssyncadd.s32 $0xFFFFB800  }
0x49: {  	[tilespmem:s20], [sflag:$0x1] =	stream.indirect.gather [hbm4b:s4+s19], $0x90, s30, s19, $0xb8;
	[tilespmem:$0x1F790] =	vst v63  }
0x4a: {  	_ =	swait.ge [sflag:s21], $0x4800  }
0x4b: {  	[sflag:s21] =	ssyncset.done $0x0  }
0x4c: {  	s31 =	simm.s32 $0x380;
	[sflag:s21] =	ssyncadd.s32 $0xFFFFB800  }
0x4d: {  	[spmem:s1] =	stream.indirect.scatter.add.f32 [tilespmem:s20], [sflag:$0x2], $0x90, s31, s19, $0xb8;
	[tilespmem:$0x1F790] =	vst v63  }
0x4e: {  	_ =	swait.ge [sflag:s13], $0x4800  }
0x4f: {  	s28 =	simm.s32 $0x2000;
	s24 =	simm.s32 $0x1000;
	[sflag:s13] =	ssyncset.done $0x0  }
.LBB2_3:
0x50: {  	s26 =	sshra.s32 s24, $0x2  }
0x51: {  	[sflag:s13] =	ssyncadd.s32 $0xFFFFB800;
	s24 =	smov.u32 s28;
	s25 =	sadd.s32 $0x1000, s28  }
0x52: {  	[tilespmem:s20], [sflag:$0x1] =	stream.indirect.gather [hbm4b:s4+s19], $0x90, s26, s19, $0xb8;
	[tilespmem:$0x1F790] =	vst v63  }
0x53: {  	p2 =	sne.s32 s28, $0x13000;
	_ =	swait.ge [sflag:s21], $0x4800  }
0x54: {  	[sflag:s21] =	ssyncset.done $0x0  }
0x55: {  	s28 =	sadd.s32 $0x80, s26;
	[sflag:s21] =	ssyncadd.s32 $0xFFFFB800  }
0x56: {  	[spmem:s1] =	stream.indirect.scatter.add.f32 [tilespmem:s20], [sflag:$0x2], $0x90, s28, s19, $0xb8;
	[tilespmem:$0x1F790] =	vst v63  }
0x57: {  	_ =	swait.ge [sflag:s13], $0x4800  }
0x58: {  	[sflag:s13] =	ssyncset.done $0x0  }
0x59: {  	s28 =	sadd.s32 $0x100, s26;
	[sflag:s13] =	ssyncadd.s32 $0xFFFFB800  }
0x5a: {  	[tilespmem:s20], [sflag:$0x1] =	stream.indirect.gather [hbm4b:s4+s19], $0x90, s28, s19, $0xb8;
	[tilespmem:$0x1F790] =	vst v63  }
0x5b: {  	_ =	swait.ge [sflag:s21], $0x4800  }
0x5c: {  	[sflag:s21] =	ssyncset.done $0x0  }
0x5d: {  	s28 =	sadd.s32 $0x180, s26;
	[sflag:s21] =	ssyncadd.s32 $0xFFFFB800  }
0x5e: {  	[spmem:s1] =	stream.indirect.scatter.add.f32 [tilespmem:s20], [sflag:$0x2], $0x90, s28, s19, $0xb8;
	[tilespmem:$0x1F790] =	vst v63  }
0x5f: {  	_ =	swait.ge [sflag:s13], $0x4800  }
0x60: {  	[sflag:s13] =	ssyncset.done $0x0  }
0x61: {  	s28 =	sadd.s32 $0x200, s26;
	[sflag:s13] =	ssyncadd.s32 $0xFFFFB800  }
0x62: {  	[tilespmem:s20], [sflag:$0x1] =	stream.indirect.gather [hbm4b:s4+s19], $0x90, s28, s19, $0xb8;
	[tilespmem:$0x1F790] =	vst v63  }
0x63: {  	_ =	swait.ge [sflag:s21], $0x4800  }
0x64: {  	[sflag:s21] =	ssyncset.done $0x0  }
0x65: {  	s28 =	sadd.s32 $0x280, s26;
	[sflag:s21] =	ssyncadd.s32 $0xFFFFB800  }
0x66: {  	[spmem:s1] =	stream.indirect.scatter.add.f32 [tilespmem:s20], [sflag:$0x2], $0x90, s28, s19, $0xb8;
	[tilespmem:$0x1F790] =	vst v63  }
0x67: {  	_ =	swait.ge [sflag:s13], $0x4800  }
0x68: {  	[sflag:s13] =	ssyncset.done $0x0  }
0x69: {  	s28 =	sadd.s32 $0x300, s26;
	[sflag:s13] =	ssyncadd.s32 $0xFFFFB800  }
0x6a: {  	[tilespmem:s20], [sflag:$0x1] =	stream.indirect.gather [hbm4b:s4+s19], $0x90, s28, s19, $0xb8;
	[tilespmem:$0x1F790] =	vst v63  }
0x6b: {  	_ =	swait.ge [sflag:s21], $0x4800  }
.Ltmp0:
0x6c: {  	[sflag:s21] =	ssyncset.done $0x0;
	(pc) =	sbr.rel @p2 .LBB2_3-.Ltmp0, $4  }
0x6d: {  	s26 =	sadd.s32 $0x380, s26;
	[sflag:s21] =	ssyncadd.s32 $0xFFFFB800  }
0x6e: {  	[spmem:s1] =	stream.indirect.scatter.add.f32 [tilespmem:s20], [sflag:$0x2], $0x90, s26, s19, $0xb8;
	[tilespmem:$0x1F790] =	vst v63  }
0x6f: {  	_ =	swait.ge [sflag:s13], $0x4800  }
0x70: {  	s28 =	smov.u32 s25;
	[sflag:s13] =	ssyncset.done $0x0  }
0x71: {  	s24 =	sshra.s32 s24, $0x2;
	[sflag:s13] =	ssyncadd.s32 $0xFFFFB800  }
0x72: {  	[tilespmem:s20], [sflag:$0x1] =	stream.indirect.gather [hbm4b:s4+s19], $0x90, s24, s19, $0xb8;
	[tilespmem:$0x1F790] =	vst v63  }
0x73: {  	_ =	swait.ge [sflag:s21], $0x4800  }
0x74: {  	[sflag:s21] =	ssyncset.done $0x0  }
0x75: {  	s25 =	sadd.s32 $0x80, s24;
	[sflag:s21] =	ssyncadd.s32 $0xFFFFB800  }
0x76: {  	[spmem:s1] =	stream.indirect.scatter.add.f32 [tilespmem:s20], [sflag:$0x2], $0x90, s25, s19, $0xb8;
	[tilespmem:$0x1F790] =	vst v63  }
0x77: {  	_ =	swait.ge [sflag:s13], $0x4800  }
0x78: {  	[sflag:s13] =	ssyncset.done $0x0  }
0x79: {  	s31 =	sadd.s32 $0x100, s24;
	[sflag:s13] =	ssyncadd.s32 $0xFFFFB800  }
0x7a: {  	[tilespmem:s20], [sflag:$0x1] =	stream.indirect.gather [hbm4b:s4+s19], $0x90, s31, s19, $0xb8;
	[tilespmem:$0x1F790] =	vst v63  }
0x7b: {  	_ =	swait.ge [sflag:s21], $0x4800  }
0x7c: {  	[sflag:s21] =	ssyncset.done $0x0  }
0x7d: {  	s26 =	sadd.s32 $0x180, s24;
	[sflag:s21] =	ssyncadd.s32 $0xFFFFB800  }
0x7e: {  	[spmem:s1] =	stream.indirect.scatter.add.f32 [tilespmem:s20], [sflag:$0x2], $0x90, s26, s19, $0xb8;
	[tilespmem:$0x1F790] =	vst v63  }
0x7f: {  	_ =	swait.ge [sflag:s13], $0x4800  }
0x80: {  	[sflag:s13] =	ssyncset.done $0x0  }
0x81: {  	s28 =	sadd.s32 $0x200, s24;
	[sflag:s13] =	ssyncadd.s32 $0xFFFFB800  }
0x82: {  	[tilespmem:s20], [sflag:$0x1] =	stream.indirect.gather [hbm4b:s4+s19], $0x90, s28, s19, $0xb8;
	[tilespmem:$0x1F790] =	vst v63  }
0x83: {  	_ =	swait.ge [sflag:s21], $0x4800  }
0x84: {  	[sflag:s21] =	ssyncset.done $0x0  }
0x85: {  	s29 =	sadd.s32 $0x280, s24;
	[sflag:s21] =	ssyncadd.s32 $0xFFFFB800  }
0x86: {  	[spmem:s1] =	stream.indirect.scatter.add.f32 [tilespmem:s20], [sflag:$0x2], $0x90, s29, s19, $0xb8;
	[tilespmem:$0x1F790] =	vst v63  }
0x87: {  	_ =	swait.ge [sflag:s13], $0x4800  }
0x88: {  	[sflag:s13] =	ssyncset.done $0x0  }
0x89: {  	s30 =	sadd.s32 $0x300, s24;
	[sflag:s13] =	ssyncadd.s32 $0xFFFFB800  }
0x8a: {  	[tilespmem:s20], [sflag:$0x1] =	stream.indirect.gather [hbm4b:s4+s19], $0x90, s30, s19, $0xb8;
	[tilespmem:$0x1F790] =	vst v63  }
0x8b: {  	_ =	swait.ge [sflag:s21], $0x4800  }
0x8c: {  	[sflag:s21] =	ssyncset.done $0x0  }
0x8d: {  	s24 =	sadd.s32 $0x380, s24;
	s31 =	smul.u32 $0x15F900, s23;
	[sflag:s21] =	ssyncadd.s32 $0xFFFFB800  }
0x8e: {  	[spmem:s1] =	stream.indirect.scatter.add.f32 [tilespmem:s20], [sflag:$0x2], $0x90, s24, s19, $0xb8;
	[tilespmem:$0x1F790] =	vst v63  }
0x8f: {  	_ =	swait.ge [sflag:s13], $0x4800  }
0x90: {  	s24 =	sadd.s32 s31, s10;
	[sflag:s13] =	ssyncset.done $0x0  }
0x91: {  	s23 =	sadd.s32 $0x1, s23;
	s24 =	sshrl.u32 s24, $0x3;
	[sflag:s13] =	ssyncadd.s32 $0xFFFFB800  }
0x92: {  	p2 =	sne.s32 s23, $0x4;
	s24 =	sadd.s32 s7, s24;
	[bflag:$0x0] =	sbarrier.arrive $0xFFFF  }
0x93: {  	[hbm:s24], [sflag:s8] =	dma.local [spmem:s22], $0x2BF2  }
.Ltmp1:
0x94: {  	_ =	swait.ge [sflag:s13], $0x2BF2;
	(pc) =	sbr.rel @p2 .LBB2_2-.Ltmp1, $3  }
0x95: {  	[sflag:s13] =	ssyncset.done $0x0  }
0x96: {  	[sflag:s13] =	ssyncadd.s32 $0xFFFFD40E  }
0x97: {  	[bflag:$0x0] =	sbarrier.arrive $0xFFFF;
	_ =	sdelay $0x1  }
0x98: {  	s2 =	sadd.s32 $0x1, s2  }
0x99: {  	p2 =	sne.s32 s2, s11  }
.Ltmp2:
0x9a: {  	_ = 	snop;
	(pc) =	sbr.rel @p2 .LBB2_1-.Ltmp2, $1  }
0x9b: {  	_ =	sdelay $0x3  }
0x9c: {  	_ =	sfence.sel $0x180000  }
0x9d: {  	[bflag:$0x0] =	sbarrier.arrive $0xFFFF  }
0x9e: {  	p0 =	sne.s32 s3, $0x0;
	_ =	strace $0x90000047  }
0x9f: {  	s0 =	sadd.s32 @!p0 $0x100000, s0;
	[bflag:$0x2] =	sbarrier.arrive $0xFFFF  }
0xa0: {  	[sflag:s0] =	ssyncadd.tile.s32 @!p0 $0x1;
	_ =	shalt  }
.Lfunc_end2:
_tile_overlayer_lowered:
.L_overlay_start_2:
0xa1: {  	(tag) =	ssettag $0x2  }
0xa2: {  	s0 =	rddreg [dreg:$0x0];
	s2 =	stileid.u32  }
0xa3: {  	s1 =	rddreg [dreg:$0x1];
	p0 =	sne.s32 s2, $0x0  }
0xa4: {  	s3 =	rddreg [dreg:$0x2];
	[bflag:$0x3] =	sbarrier.arrive $0xFFFF;
	s2 =	simm.s32 @!p0 $0x1C02  }
0xa5: {  	[timem:s3], [sflag:s2] =	dma.local @!p0 [hbm:s0], s1  }
0xa6: {  	s0 =	simm.s32 @!p0 $0x2  }
0xa7: {  	_ =	swait.ge @!p0 [sflag:s0], s1  }
0xa8: {  	s1 =	ssub.s32 @!p0 $0x0, s1;
	[sflag:s0] =	ssyncset.done @!p0 $0x0  }
0xa9: {  	[sflag:s0] =	ssyncadd.s32 @!p0 s1  }
0xaa: {  	[bflag:$0x3] =	sbarrier.arrive $0xFFFF  }
0xab: {  	_ =	shalt  }

</sc_bundles>
